<compile_context>
chip_gen: v7x
topology: tpu7x:2x2x1
jax: 0.10.2.dev20260603
libtpu: 0.0.44.dev20260713+nightly
codegen_flags: <defaults>
</compile_context>

<pallas_src>
import functools

import jax
import jax.numpy as jnp
from jax import lax
from jax.experimental import pallas as pl
from jax.experimental.pallas import tpu as pltpu
from jax.experimental.pallas import tpu_sc as plsc

NC = 2
NS = 16
NW = NC * NS
DEGW = 8
DEG_LAG = 16


def _edge_tiling(e):
    if e % NW == 0:
        ept = e // NW
        for ch in range(40, 7, -8):
            if ept % ch == 0:
                cpt = ept // ch
                for nbuf in (5, 4, 6, 3, 2, 1):
                    if cpt % nbuf == 0:
                        return ch, cpt, nbuf, 0
    ch = 128
    cpt = -(-e // (NW * ch))
    if cpt % 4:
        cpt += 4 - cpt % 4
    return ch, cpt, 4, NW * cpt * ch - e


def _sc_mesh():
    return plsc.VectorSubcoreMesh(core_axis_name="c", subcore_axis_name="s")


def _make_deg_kernel(n, n_acc, ch, cpt, r):
    @functools.partial(
        pl.kernel,
        out_type=jax.ShapeDtypeStruct((n // r, NC, r, DEGW), jnp.float32),
        mesh=_sc_mesh(),
        compiler_params=pltpu.CompilerParams(use_tc_tiling_on_sc=False),
        scratch_types=[
            pltpu.VMEM_SHARED((n_acc, DEGW), jnp.float32),
            pltpu.VMEM((cpt, ch), jnp.int32),
            pltpu.VMEM((ch, DEGW), jnp.float32),
            pltpu.SemaphoreType.DMA,
        ],
    )
    def deg_kernel(dst_hbm, zeros_hbm, ones_hbm, out_hbm, acc, dbuf, ones_v,
                   sem):
        c = lax.axis_index("c")
        s = lax.axis_index("s")
        w = c * NS + s
        rpt = n // NS
        pltpu.sync_copy(zeros_hbm.at[pl.ds(s * rpt, rpt)],
                        acc.at[pl.ds(s * rpt, rpt)])
        pltpu.sync_copy(ones_hbm, ones_v)
        pltpu.sync_copy(dst_hbm.at[w], dbuf)
        plsc.subcore_barrier()

        def issue(j, carry):
            pltpu.async_copy(ones_v, acc.at[dbuf.at[j]], sem, add=True)

            @pl.when(j >= DEG_LAG)
            def _():
                pltpu.make_async_copy(ones_v, acc.at[dbuf.at[0]], sem).wait()

            return carry

        lax.fori_loop(0, cpt, issue, 0)

        def drain(j, carry):
            pltpu.make_async_copy(ones_v, acc.at[dbuf.at[0]], sem).wait()
            return carry

        lax.fori_loop(0, DEG_LAG, drain, 0)
        plsc.subcore_barrier()

        @pl.when(s < n // r)
        def _():
            pltpu.sync_copy(acc.at[pl.ds(s * r, r)], out_hbm.at[s, c])

    return deg_kernel


def _make_scatter_kernel(n, n_acc, d, ch, cpt, nbuf, r):
    @functools.partial(
        pl.kernel,
        out_type=jax.ShapeDtypeStruct((n // r, NC, r, d), jnp.float32),
        mesh=_sc_mesh(),
        compiler_params=pltpu.CompilerParams(use_tc_tiling_on_sc=False),
        scratch_types=(
            [
                pltpu.VMEM_SHARED((n_acc, d), jnp.float32),
                pltpu.VMEM_SHARED((n, d), jnp.float32),
                pltpu.VMEM((cpt, ch), jnp.int32),
                pltpu.VMEM((cpt, ch), jnp.int32),
            ]
            + [pltpu.VMEM((ch, d), jnp.float32)] * nbuf
            + [pltpu.SemaphoreType.DMA] * (2 * nbuf)
        ),
    )
    def scatter_kernel(g_hbm, src_hbm, dst_hbm, out_hbm,
                       acc, gtab, sbuf, dbuf, *bufs_and_sems):
        rows = bufs_and_sems[:nbuf]
        gsem = bufs_and_sems[nbuf:2 * nbuf]
        ssem = bufs_and_sems[2 * nbuf:]
        c = lax.axis_index("c")
        s = lax.axis_index("s")
        w = c * NS + s
        rpt = n // NS
        sl = pl.ds(s * rpt, rpt)
        pltpu.sync_copy(g_hbm.at[sl], gtab.at[sl])
        pltpu.sync_copy(g_hbm.at[sl], acc.at[sl])
        pltpu.sync_copy(src_hbm.at[w], sbuf)
        pltpu.sync_copy(dst_hbm.at[w], dbuf)
        plsc.subcore_barrier()

        def gstart(j, b):
            pltpu.async_copy(gtab.at[sbuf.at[j]], rows[b], gsem[b])

        def gwait(b):
            pltpu.make_async_copy(gtab.at[sbuf.at[0]], rows[b],
                                  gsem[b]).wait()

        def sstart(j, b):
            pltpu.async_copy(rows[b], acc.at[dbuf.at[j]], ssem[b], add=True)

        def swait(b):
            pltpu.make_async_copy(rows[b], acc.at[dbuf.at[0]],
                                  ssem[b]).wait()

        for b in range(nbuf):
            gstart(b, b)

        def body(jb, carry):
            j0 = jb * nbuf
            for b in range(nbuf):
                gwait(b)
                sstart(j0 + b, b)
            for b in range(nbuf):
                swait(b)
                nxt = j0 + nbuf + b

                @pl.when(nxt < cpt)
                def _():
                    gstart(nxt, b)

            return carry

        lax.fori_loop(0, cpt // nbuf, body, 0)
        plsc.subcore_barrier()

        @pl.when(s < n // r)
        def _():
            pltpu.sync_copy(acc.at[pl.ds(s * r, r)], out_hbm.at[s, c])

    return scatter_kernel


def _tc_mm_body(x_ref, w1_ref, u_ref):
    u_ref[...] = jnp.dot(x_ref[...], w1_ref[...],
                         preferred_element_type=jnp.float32)


def _tc1_body(u_ref, degp_ref, g_ref, dinv_ref):
    p = degp_ref[...]
    deg = p[0, 0, :, 0:1] + p[0, 1, :, 0:1] + 1.0
    dinv = lax.rsqrt(deg)
    g_ref[...] = u_ref[...] * dinv
    dinv_ref[...] = dinv


def _tc_mid_body(sp_ref, g_ref, dinv_ref, b_ref, w_ref, out_ref):
    p = sp_ref[...]
    comb = p[0, 0] + p[0, 1] - g_ref[...]
    h = jnp.maximum(comb * dinv_ref[...] + b_ref[...], 0.0)
    out_ref[...] = jnp.dot(h, w_ref[...],
                           preferred_element_type=jnp.float32) * dinv_ref[...]


def _tc_out_body(sp_ref, g_ref, dinv_ref, b_ref, wfc_ref, bfc_ref, out_ref):
    p = sp_ref[...]
    comb = p[0, 0] + p[0, 1] - g_ref[...]
    h = jnp.maximum(comb * dinv_ref[...] + b_ref[...], 0.0)
    z = jnp.dot(h, wfc_ref[...], preferred_element_type=jnp.float32)
    out_ref[...] = jax.nn.sigmoid(z + bfc_ref[...])


def _stacked_spec(r, d):
    return pl.BlockSpec((1, NC, r, d), lambda i: (i, 0, 0, 0))


def kernel(x, edge_index, W1, b1, W2, b2, Wfc, bfc):
    n, d_in = x.shape
    e = edge_index.shape[1]
    d_hid = W1.shape[1]
    d_out = W2.shape[1]

    ch, cpt, nbuf, pad = _edge_tiling(e)
    n_acc = n + (NS if pad else 0)

    src = edge_index[0].astype(jnp.int32)
    dst = edge_index[1].astype(jnp.int32)
    if pad:
        src = jnp.concatenate([src, jnp.zeros((pad,), jnp.int32)])
        dst = jnp.concatenate([dst, jnp.full((pad,), n, jnp.int32)])
    src_t = src.reshape(NW, cpt, ch)
    dst_t = dst.reshape(NW, cpt, ch)

    zeros_h = jnp.zeros((n, DEGW), jnp.float32)
    ones_h = jnp.ones((ch, DEGW), jnp.float32)

    r = 5000
    grid = (n // r,)
    u1 = pl.pallas_call(
        _tc_mm_body,
        grid=grid,
        in_specs=[
            pl.BlockSpec((r, d_in), lambda i: (i, 0)),
            pl.BlockSpec((d_in, d_hid), lambda i: (0, 0)),
        ],
        out_specs=pl.BlockSpec((r, d_hid), lambda i: (i, 0)),
        out_shape=jax.ShapeDtypeStruct((n, d_hid), jnp.float32),
    )(x, W1)

    degp = _make_deg_kernel(n, n_acc, ch, cpt, r)(dst_t, zeros_h, ones_h)

    g1, dinv = pl.pallas_call(
        _tc1_body,
        grid=grid,
        in_specs=[
            pl.BlockSpec((r, d_hid), lambda i: (i, 0)),
            _stacked_spec(r, DEGW),
        ],
        out_specs=[
            pl.BlockSpec((r, d_hid), lambda i: (i, 0)),
            pl.BlockSpec((r, 1), lambda i: (i, 0)),
        ],
        out_shape=[
            jax.ShapeDtypeStruct((n, d_hid), jnp.float32),
            jax.ShapeDtypeStruct((n, 1), jnp.float32),
        ],
    )(u1, degp)

    s1 = _make_scatter_kernel(n, n_acc, d_hid, ch, cpt, nbuf, r)(
        g1, src_t, dst_t)

    g2 = pl.pallas_call(
        _tc_mid_body,
        grid=grid,
        in_specs=[
            _stacked_spec(r, d_hid),
            pl.BlockSpec((r, d_hid), lambda i: (i, 0)),
            pl.BlockSpec((r, 1), lambda i: (i, 0)),
            pl.BlockSpec((1, d_hid), lambda i: (0, 0)),
            pl.BlockSpec((d_hid, d_out), lambda i: (0, 0)),
        ],
        out_specs=pl.BlockSpec((r, d_out), lambda i: (i, 0)),
        out_shape=jax.ShapeDtypeStruct((n, d_out), jnp.float32),
    )(s1, g1, dinv, b1.reshape(1, d_hid), W2)

    s2 = _make_scatter_kernel(n, n_acc, d_out, ch, cpt, nbuf, r)(
        g2, src_t, dst_t)

    out = pl.pallas_call(
        _tc_out_body,
        grid=grid,
        in_specs=[
            _stacked_spec(r, d_out),
            pl.BlockSpec((r, d_out), lambda i: (i, 0)),
            pl.BlockSpec((r, 1), lambda i: (i, 0)),
            pl.BlockSpec((1, d_out), lambda i: (0, 0)),
            pl.BlockSpec((d_out, 1), lambda i: (0, 0)),
            pl.BlockSpec((1, 1), lambda i: (0, 0)),
        ],
        out_specs=pl.BlockSpec((r, 1), lambda i: (i, 0)),
        out_shape=jax.ShapeDtypeStruct((n, 1), jnp.float32),
    )(s2, g2, dinv, b2.reshape(1, d_out), Wfc, bfc.reshape(1, 1))

    return out

# --- scband reference (transcript-rebuilt; emitter-appended) ---
"""Pipeline reference for scband-fraud-gnn-85143431676315 (READ-ONLY COPY).

The authoritative reference and input builder live on the scoring server;
editing this copy changes nothing except your own understanding.
"""

import jax, jax.numpy as jnp
import numpy as np

N = 10000
E = 320000
D_IN = 128
D_HID = 32
D_OUT = 16


def setup_inputs(seed: int = 0) -> dict:
    key = jax.random.key(seed)
    ks = jax.random.split(key, 8)
    x = jax.random.normal(ks[0], (N, D_IN), dtype=jnp.float32)
    edge_index = jax.random.randint(ks[1], (2, E), 0, N, dtype=jnp.int64)
    W1 = jax.random.normal(ks[2], (D_IN, D_HID), dtype=jnp.float32) * (1.0 / np.sqrt(D_IN))
    b1 = jnp.zeros((D_HID,), dtype=jnp.float32)
    W2 = jax.random.normal(ks[3], (D_HID, D_OUT), dtype=jnp.float32) * (1.0 / np.sqrt(D_HID))
    b2 = jnp.zeros((D_OUT,), dtype=jnp.float32)
    Wfc = jax.random.normal(ks[4], (D_OUT, 1), dtype=jnp.float32) * (1.0 / np.sqrt(D_OUT))
    bfc = jnp.zeros((1,), dtype=jnp.float32)
    return {"x": x, "edge_index": edge_index, "W1": W1, "b1": b1, "W2": W2, "b2": b2, "Wfc": Wfc, "bfc": bfc}


def _gcn_conv(x, src, dst, W, b, num_nodes):
    # GCNConv: X' = D^{-1/2} (A + I) D^{-1/2} X W + b
    h = x @ W
    deg = jnp.zeros((num_nodes,), dtype=h.dtype).at[dst].add(1.0)
    deg_inv_sqrt = jnp.where(deg > 0, jax.lax.rsqrt(jnp.maximum(deg, 1e-12)), 0.0)
    norm = deg_inv_sqrt[src] * deg_inv_sqrt[dst]
    msgs = h[src] * norm[:, None]
    out = jnp.zeros((num_nodes, h.shape[1]), dtype=h.dtype).at[dst].add(msgs)
    return out + b


def reference(x, edge_index, W1, b1, W2, b2, Wfc, bfc):
    num_nodes = x.shape[0]
    loops = jnp.arange(num_nodes, dtype=edge_index.dtype)
    src = jnp.concatenate([edge_index[0], loops])
    dst = jnp.concatenate([edge_index[1], loops])
    h = jax.nn.relu(_gcn_conv(x, src, dst, W1, b1, num_nodes))
    h = jax.nn.relu(_gcn_conv(h, src, dst, W2, b2, num_nodes))
    return jax.nn.sigmoid(h @ Wfc + bfc)

if __name__ == "__main__":
    import jax
    _d = setup_inputs()
    print(jax.jit(kernel)(*tuple(_d.values())))

</pallas_src>

<mosaic_0001>
#map = affine_map<(d0, d1) -> (0, 0, 0)>
#map1 = affine_map<(d0, d1) -> (0, 0)>
#map2 = affine_map<(d0, d1) -> (0, 0, 0, 0)>
module attributes {stable_mosaic.version = 14 : i64} {
  func.func @deg_kernel(%arg0: i32, %arg1: i32, %arg2: memref<32x250x40xi32, #tpu.memory_space<hbm>>, %arg3: memref<10000x8xf32, #tpu.memory_space<hbm>>, %arg4: memref<40x8xf32, #tpu.memory_space<hbm>>, %arg5: memref<2x2x5000x8xf32, #tpu.memory_space<hbm>>, %arg6: memref<10000x8xf32, #tpu.memory_space<vmem_shared>>, %arg7: memref<250x40xi32, #tpu.memory_space<vmem>>, %arg8: memref<40x8xf32, #tpu.memory_space<vmem>>, %arg9: memref<!tpu.dma_semaphore, #tpu.memory_space<semaphore_mem>>) attributes {dimension_semantics = [#tpu.dimension_semantics<core_parallel>, #tpu.dimension_semantics<subcore_parallel>], iteration_bounds = array<i64: 2, 16>, scalar_prefetch = 0 : i64, scratch_operands = 4 : i64, tpu.core_type = #tpu.core_type<sc_vector_subcore>, window_params = [{transform_indices = #map}, {transform_indices = #map1}, {transform_indices = #map1}, {transform_indices = #map2}]} {
    %mul3A = arith.constant 16 : i32
    %mul3A_0 = arith.muli %arg0, %mul3A : i32
    %add3A = arith.addi %mul3A_0, %arg1 : i32
    %mul3A_1 = arith.constant 625 : i32
    %mul3A_2 = arith.muli %arg1, %mul3A_1 : i32
    %mul3A_3 = arith.constant 625 : i32
    %mul3A_4 = arith.muli %arg1, %mul3A_3 : i32
    "tpu.region"() ({
      %run_scoped3A = tpu.sem_alloc : memref<!tpu.dma_semaphore, #tpu.memory_space<semaphore_mem>>
      %dma_start3A = arith.constant 0 : i32
      %dma_start3A_19 = tpu.memref_slice %arg6[%mul3A_4, %dma_start3A] : memref<10000x8xf32, #tpu.memory_space<vmem_shared>> -> memref<625x8xf32, #tpu.memory_space<vmem_shared>>
      %dma_start3A_20 = arith.constant 0 : i32
      %dma_start3A_21 = tpu.memref_slice %arg3[%mul3A_2, %dma_start3A_20] : memref<10000x8xf32, #tpu.memory_space<hbm>> -> memref<625x8xf32, #tpu.memory_space<hbm>>
      tpu.enqueue_dma source(%dma_start3A_21 : memref<625x8xf32, #tpu.memory_space<hbm>>) target(%dma_start3A_19 : memref<625x8xf32, #tpu.memory_space<vmem_shared>>) target_semaphore(%run_scoped3A : memref<!tpu.dma_semaphore, #tpu.memory_space<semaphore_mem>>)
      %dma_wait3A = arith.constant 0 : i32
      %dma_wait3A_22 = tpu.memref_slice %arg6[%mul3A_4, %dma_wait3A] : memref<10000x8xf32, #tpu.memory_space<vmem_shared>> -> memref<625x8xf32, #tpu.memory_space<vmem_shared>>
      %dma_wait3A_23 = arith.constant 0 : i32
      %dma_wait3A_24 = tpu.memref_slice %arg3[%mul3A_2, %dma_wait3A_23] : memref<10000x8xf32, #tpu.memory_space<hbm>> -> memref<625x8xf32, #tpu.memory_space<hbm>>
      tpu.wait_dma2 semaphore(%run_scoped3A : memref<!tpu.dma_semaphore, #tpu.memory_space<semaphore_mem>>) src(%dma_wait3A_24 : memref<625x8xf32, #tpu.memory_space<hbm>>) dst(%dma_wait3A_22 : memref<625x8xf32, #tpu.memory_space<vmem_shared>>)
      tpu.yield
    }) : () -> ()
    "tpu.region"() ({
      %run_scoped3A = tpu.sem_alloc : memref<!tpu.dma_semaphore, #tpu.memory_space<semaphore_mem>>
      tpu.enqueue_dma source(%arg4 : memref<40x8xf32, #tpu.memory_space<hbm>>) target(%arg8 : memref<40x8xf32, #tpu.memory_space<vmem>>) target_semaphore(%run_scoped3A : memref<!tpu.dma_semaphore, #tpu.memory_space<semaphore_mem>>)
      tpu.wait_dma2 semaphore(%run_scoped3A : memref<!tpu.dma_semaphore, #tpu.memory_space<semaphore_mem>>) src(%arg4 : memref<40x8xf32, #tpu.memory_space<hbm>>) dst(%arg8 : memref<40x8xf32, #tpu.memory_space<vmem>>)
      tpu.yield
    }) : () -> ()
    "tpu.region"() ({
      %run_scoped3A = tpu.sem_alloc : memref<!tpu.dma_semaphore, #tpu.memory_space<semaphore_mem>>
      %dma_start3A = arith.constant 0 : i32
      %dma_start3A_19 = arith.constant 0 : i32
      %dma_start3A_20 = tpu.memref_slice %arg2[%add3A, %dma_start3A, %dma_start3A_19] : memref<32x250x40xi32, #tpu.memory_space<hbm>> -> memref<1x250x40xi32, #tpu.memory_space<hbm>>
      %dma_start3A_21 = tpu.memref_squeeze %dma_start3A_20 : memref<1x250x40xi32, #tpu.memory_space<hbm>> -> memref<250x40xi32, #tpu.memory_space<hbm>>
      %dma_start3A_22 = arith.constant 0 : i32
      %dma_start3A_23 = arith.constant 0 : i32
      %dma_start3A_24 = tpu.memref_slice %arg2[%add3A, %dma_start3A_22, %dma_start3A_23] : memref<32x250x40xi32, #tpu.memory_space<hbm>> -> memref<1x250x40xi32, #tpu.memory_space<hbm>>
      %dma_start3A_25 = tpu.memref_squeeze %dma_start3A_24 : memref<1x250x40xi32, #tpu.memory_space<hbm>> -> memref<250x40xi32, #tpu.memory_space<hbm>>
      tpu.enqueue_dma source(%dma_start3A_25 : memref<250x40xi32, #tpu.memory_space<hbm>>) target(%arg7 : memref<250x40xi32, #tpu.memory_space<vmem>>) target_semaphore(%run_scoped3A : memref<!tpu.dma_semaphore, #tpu.memory_space<semaphore_mem>>)
      %dma_wait3A = arith.constant 0 : i32
      %dma_wait3A_26 = arith.constant 0 : i32
      %dma_wait3A_27 = tpu.memref_slice %arg2[%add3A, %dma_wait3A, %dma_wait3A_26] : memref<32x250x40xi32, #tpu.memory_space<hbm>> -> memref<1x250x40xi32, #tpu.memory_space<hbm>>
      %dma_wait3A_28 = tpu.memref_squeeze %dma_wait3A_27 : memref<1x250x40xi32, #tpu.memory_space<hbm>> -> memref<250x40xi32, #tpu.memory_space<hbm>>
      %dma_wait3A_29 = arith.constant 0 : i32
      %dma_wait3A_30 = arith.constant 0 : i32
      %dma_wait3A_31 = tpu.memref_slice %arg2[%add3A, %dma_wait3A_29, %dma_wait3A_30] : memref<32x250x40xi32, #tpu.memory_space<hbm>> -> memref<1x250x40xi32, #tpu.memory_space<hbm>>
      %dma_wait3A_32 = tpu.memref_squeeze %dma_wait3A_31 : memref<1x250x40xi32, #tpu.memory_space<hbm>> -> memref<250x40xi32, #tpu.memory_space<hbm>>
      tpu.wait_dma2 semaphore(%run_scoped3A : memref<!tpu.dma_semaphore, #tpu.memory_space<semaphore_mem>>) src(%dma_wait3A_32 : memref<250x40xi32, #tpu.memory_space<hbm>>) dst(%arg7 : memref<250x40xi32, #tpu.memory_space<vmem>>)
      tpu.yield
    }) : () -> ()
    %barrier3A = arith.constant 0 : index
    tpu.barrier barrier_id(%barrier3A)
    %scan3A = arith.constant 0 : i32
    %scan3A_5 = arith.constant 0 : i32
    %scan3A_6 = arith.constant 250 : i32
    %scan3A_7 = arith.addi %scan3A_5, %scan3A_6 : i32
    %scan3A_8 = arith.constant 1 : i32
    scf.for %scan3A_19 = %scan3A_5 to %scan3A_7 step %scan3A_8  : i32 {
      %dma_start3A = arith.constant 0 : i32
      %dma_start3A_20 = tpu.memref_slice %arg7[%scan3A_19, %dma_start3A] : memref<250x40xi32, #tpu.memory_space<vmem>> -> memref<1x40xi32, #tpu.memory_space<vmem>>
      %dma_start3A_21 = tpu.memref_squeeze %dma_start3A_20 : memref<1x40xi32, #tpu.memory_space<vmem>> -> memref<40xi32, #tpu.memory_space<vmem>>
      %dma_start3A_22 = arith.constant 0 : i32
      %dma_start3A_23 = arith.constant 0 : i32
      %dma_start3A_24 = tpu.memref_slice %arg6[%dma_start3A_22, %dma_start3A_23] : memref<10000x8xf32, #tpu.memory_space<vmem_shared>> -> memref<10000x8xf32, #tpu.memory_space<vmem_shared>>
      tpu.enqueue_indirect_dma source(%arg8 : memref<40x8xf32, #tpu.memory_space<vmem>>) target(%dma_start3A_24 : memref<10000x8xf32, #tpu.memory_space<vmem_shared>>) offsets(%dma_start3A_21 : memref<40xi32, #tpu.memory_space<vmem>>) semaphore(%arg9 : memref<!tpu.dma_semaphore, #tpu.memory_space<semaphore_mem>>) {add = true}
      %ge3A = arith.constant 16 : i32
      %ge3A_25 = arith.cmpi sge, %scan3A_19, %ge3A : i32
      %convert_element_type3A_26 = arith.extui %ge3A_25 : i1 to i32
      %cond3A_27 = arith.constant 0 : i32
      %cond3A_28 = arith.cmpi ne, %convert_element_type3A_26, %cond3A_27 : i32
      scf.if %cond3A_28 {
        %dma_wait3A = arith.constant 0 : i32
        %dma_wait3A_29 = arith.constant 0 : i32
        %dma_wait3A_30 = tpu.memref_slice %arg7[%dma_wait3A, %dma_wait3A_29] : memref<250x40xi32, #tpu.memory_space<vmem>> -> memref<1x40xi32, #tpu.memory_space<vmem>>
        %dma_wait3A_31 = tpu.memref_squeeze %dma_wait3A_30 : memref<1x40xi32, #tpu.memory_space<vmem>> -> memref<40xi32, #tpu.memory_space<vmem>>
        %dma_wait3A_32 = arith.constant 0 : i32
        %dma_wait3A_33 = arith.constant 0 : i32
        %dma_wait3A_34 = tpu.memref_slice %arg6[%dma_wait3A_32, %dma_wait3A_33] : memref<10000x8xf32, #tpu.memory_space<vmem_shared>> -> memref<10000x8xf32, #tpu.memory_space<vmem_shared>>
        tpu.wait_indirect_dma semaphore(%arg9 : memref<!tpu.dma_semaphore, #tpu.memory_space<semaphore_mem>>) src(%arg8 : memref<40x8xf32, #tpu.memory_space<vmem>>) dst(%dma_wait3A_34 : memref<10000x8xf32, #tpu.memory_space<vmem_shared>>)
      } else {
      }
    }
    %scan3A_9 = arith.constant 250 : i32
    %scan3A_10 = arith.constant 0 : i32
    %scan3A_11 = arith.constant 0 : i32
    %scan3A_12 = arith.constant 16 : i32
    %scan3A_13 = arith.addi %scan3A_11, %scan3A_12 : i32
    %scan3A_14 = arith.constant 1 : i32
    scf.for %scan3A_19 = %scan3A_11 to %scan3A_13 step %scan3A_14  : i32 {
      %dma_wait3A = arith.constant 0 : i32
      %dma_wait3A_20 = arith.constant 0 : i32
      %dma_wait3A_21 = tpu.memref_slice %arg7[%dma_wait3A, %dma_wait3A_20] : memref<250x40xi32, #tpu.memory_space<vmem>> -> memref<1x40xi32, #tpu.memory_space<vmem>>
      %dma_wait3A_22 = tpu.memref_squeeze %dma_wait3A_21 : memref<1x40xi32, #tpu.memory_space<vmem>> -> memref<40xi32, #tpu.memory_space<vmem>>
      %dma_wait3A_23 = arith.constant 0 : i32
      %dma_wait3A_24 = arith.constant 0 : i32
      %dma_wait3A_25 = tpu.memref_slice %arg6[%dma_wait3A_23, %dma_wait3A_24] : memref<10000x8xf32, #tpu.memory_space<vmem_shared>> -> memref<10000x8xf32, #tpu.memory_space<vmem_shared>>
      tpu.wait_indirect_dma semaphore(%arg9 : memref<!tpu.dma_semaphore, #tpu.memory_space<semaphore_mem>>) src(%arg8 : memref<40x8xf32, #tpu.memory_space<vmem>>) dst(%dma_wait3A_25 : memref<10000x8xf32, #tpu.memory_space<vmem_shared>>)
    }
    %scan3A_15 = arith.constant 16 : i32
    %barrier3A_16 = arith.constant 0 : index
    tpu.barrier barrier_id(%barrier3A_16)
    %lt3A = arith.constant 2 : i32
    %lt3A_17 = arith.cmpi slt, %arg1, %lt3A : i32
    %convert_element_type3A = arith.extui %lt3A_17 : i1 to i32
    %cond3A = arith.constant 0 : i32
    %cond3A_18 = arith.cmpi ne, %convert_element_type3A, %cond3A : i32
    scf.if %cond3A_18 {
      %mul3A_19 = arith.constant 5000 : i32
      %mul3A_20 = arith.muli %arg1, %mul3A_19 : i32
      "tpu.region"() ({
        %run_scoped3A = tpu.sem_alloc : memref<!tpu.dma_semaphore, #tpu.memory_space<semaphore_mem>>
        %dma_start3A = arith.constant 0 : i32
        %dma_start3A_21 = arith.constant 0 : i32
        %dma_start3A_22 = tpu.memref_slice %arg5[%arg1, %arg0, %dma_start3A, %dma_start3A_21] : memref<2x2x5000x8xf32, #tpu.memory_space<hbm>> -> memref<1x1x5000x8xf32, #tpu.memory_space<hbm>>
        %dma_start3A_23 = tpu.memref_squeeze %dma_start3A_22 : memref<1x1x5000x8xf32, #tpu.memory_space<hbm>> -> memref<5000x8xf32, #tpu.memory_space<hbm>>
        %dma_start3A_24 = arith.constant 0 : i32
        %dma_start3A_25 = tpu.memref_slice %arg6[%mul3A_20, %dma_start3A_24] : memref<10000x8xf32, #tpu.memory_space<vmem_shared>> -> memref<5000x8xf32, #tpu.memory_space<vmem_shared>>
        tpu.enqueue_dma source(%dma_start3A_25 : memref<5000x8xf32, #tpu.memory_space<vmem_shared>>) target(%dma_start3A_23 : memref<5000x8xf32, #tpu.memory_space<hbm>>) target_semaphore(%run_scoped3A : memref<!tpu.dma_semaphore, #tpu.memory_space<semaphore_mem>>)
        %dma_wait3A = arith.constant 0 : i32
        %dma_wait3A_26 = arith.constant 0 : i32
        %dma_wait3A_27 = tpu.memref_slice %arg5[%arg1, %arg0, %dma_wait3A, %dma_wait3A_26] : memref<2x2x5000x8xf32, #tpu.memory_space<hbm>> -> memref<1x1x5000x8xf32, #tpu.memory_space<hbm>>
        %dma_wait3A_28 = tpu.memref_squeeze %dma_wait3A_27 : memref<1x1x5000x8xf32, #tpu.memory_space<hbm>> -> memref<5000x8xf32, #tpu.memory_space<hbm>>
        %dma_wait3A_29 = arith.constant 0 : i32
        %dma_wait3A_30 = tpu.memref_slice %arg6[%mul3A_20, %dma_wait3A_29] : memref<10000x8xf32, #tpu.memory_space<vmem_shared>> -> memref<5000x8xf32, #tpu.memory_space<vmem_shared>>
        tpu.wait_dma2 semaphore(%run_scoped3A : memref<!tpu.dma_semaphore, #tpu.memory_space<semaphore_mem>>) src(%dma_wait3A_30 : memref<5000x8xf32, #tpu.memory_space<vmem_shared>>) dst(%dma_wait3A_28 : memref<5000x8xf32, #tpu.memory_space<hbm>>)
        tpu.yield
      }) : () -> ()
    } else {
    }
    return
  }
}

#map = affine_map<(d0, d1) -> (0, 0)>
#map1 = affine_map<(d0, d1) -> (0, 0, 0)>
#map2 = affine_map<(d0, d1) -> (0, 0, 0, 0)>
module attributes {stable_mosaic.version = 14 : i64} {
  func.func @scatter_kernel(%arg0: i32, %arg1: i32, %arg2: memref<10000x16xf32, #tpu.memory_space<hbm>>, %arg3: memref<32x250x40xi32, #tpu.memory_space<hbm>>, %arg4: memref<32x250x40xi32, #tpu.memory_space<hbm>>, %arg5: memref<2x2x5000x16xf32, #tpu.memory_space<hbm>>, %arg6: memref<10000x16xf32, #tpu.memory_space<vmem_shared>>, %arg7: memref<10000x16xf32, #tpu.memory_space<vmem_shared>>, %arg8: memref<250x40xi32, #tpu.memory_space<vmem>>, %arg9: memref<250x40xi32, #tpu.memory_space<vmem>>, %arg10: memref<40x16xf32, #tpu.memory_space<vmem>>, %arg11: memref<40x16xf32, #tpu.memory_space<vmem>>, %arg12: memref<40x16xf32, #tpu.memory_space<vmem>>, %arg13: memref<40x16xf32, #tpu.memory_space<vmem>>, %arg14: memref<40x16xf32, #tpu.memory_space<vmem>>, %arg15: memref<!tpu.dma_semaphore, #tpu.memory_space<semaphore_mem>>, %arg16: memref<!tpu.dma_semaphore, #tpu.memory_space<semaphore_mem>>, %arg17: memref<!tpu.dma_semaphore, #tpu.memory_space<semaphore_mem>>, %arg18: memref<!tpu.dma_semaphore, #tpu.memory_space<semaphore_mem>>, %arg19: memref<!tpu.dma_semaphore, #tpu.memory_space<semaphore_mem>>, %arg20: memref<!tpu.dma_semaphore, #tpu.memory_space<semaphore_mem>>, %arg21: memref<!tpu.dma_semaphore, #tpu.memory_space<semaphore_mem>>, %arg22: memref<!tpu.dma_semaphore, #tpu.memory_space<semaphore_mem>>, %arg23: memref<!tpu.dma_semaphore, #tpu.memory_space<semaphore_mem>>, %arg24: memref<!tpu.dma_semaphore, #tpu.memory_space<semaphore_mem>>) attributes {dimension_semantics = [#tpu.dimension_semantics<core_parallel>, #tpu.dimension_semantics<subcore_parallel>], iteration_bounds = array<i64: 2, 16>, scalar_prefetch = 0 : i64, scratch_operands = 19 : i64, tpu.core_type = #tpu.core_type<sc_vector_subcore>, window_params = [{transform_indices = #map}, {transform_indices = #map1}, {transform_indices = #map1}, {transform_indices = #map2}]} {
    %mul3A = arith.constant 16 : i32
    %mul3A_0 = arith.muli %arg0, %mul3A : i32
    %add3A = arith.addi %mul3A_0, %arg1 : i32
    %mul3A_1 = arith.constant 625 : i32
    %mul3A_2 = arith.muli %arg1, %mul3A_1 : i32
    "tpu.region"() ({
      %run_scoped3A = tpu.sem_alloc : memref<!tpu.dma_semaphore, #tpu.memory_space<semaphore_mem>>
      %dma_start3A_45 = arith.constant 0 : i32
      %dma_start3A_46 = tpu.memref_slice %arg7[%mul3A_2, %dma_start3A_45] : memref<10000x16xf32, #tpu.memory_space<vmem_shared>> -> memref<625x16xf32, #tpu.memory_space<vmem_shared>>
      %dma_start3A_47 = arith.constant 0 : i32
      %dma_start3A_48 = tpu.memref_slice %arg2[%mul3A_2, %dma_start3A_47] : memref<10000x16xf32, #tpu.memory_space<hbm>> -> memref<625x16xf32, #tpu.memory_space<hbm>>
      tpu.enqueue_dma source(%dma_start3A_48 : memref<625x16xf32, #tpu.memory_space<hbm>>) target(%dma_start3A_46 : memref<625x16xf32, #tpu.memory_space<vmem_shared>>) target_semaphore(%run_scoped3A : memref<!tpu.dma_semaphore, #tpu.memory_space<semaphore_mem>>)
      %dma_wait3A = arith.constant 0 : i32
      %dma_wait3A_49 = tpu.memref_slice %arg7[%mul3A_2, %dma_wait3A] : memref<10000x16xf32, #tpu.memory_space<vmem_shared>> -> memref<625x16xf32, #tpu.memory_space<vmem_shared>>
      %dma_wait3A_50 = arith.constant 0 : i32
      %dma_wait3A_51 = tpu.memref_slice %arg2[%mul3A_2, %dma_wait3A_50] : memref<10000x16xf32, #tpu.memory_space<hbm>> -> memref<625x16xf32, #tpu.memory_space<hbm>>
      tpu.wait_dma2 semaphore(%run_scoped3A : memref<!tpu.dma_semaphore, #tpu.memory_space<semaphore_mem>>) src(%dma_wait3A_51 : memref<625x16xf32, #tpu.memory_space<hbm>>) dst(%dma_wait3A_49 : memref<625x16xf32, #tpu.memory_space<vmem_shared>>)
      tpu.yield
    }) : () -> ()
    "tpu.region"() ({
      %run_scoped3A = tpu.sem_alloc : memref<!tpu.dma_semaphore, #tpu.memory_space<semaphore_mem>>
      %dma_start3A_45 = arith.constant 0 : i32
      %dma_start3A_46 = tpu.memref_slice %arg6[%mul3A_2, %dma_start3A_45] : memref<10000x16xf32, #tpu.memory_space<vmem_shared>> -> memref<625x16xf32, #tpu.memory_space<vmem_shared>>
      %dma_start3A_47 = arith.constant 0 : i32
      %dma_start3A_48 = tpu.memref_slice %arg2[%mul3A_2, %dma_start3A_47] : memref<10000x16xf32, #tpu.memory_space<hbm>> -> memref<625x16xf32, #tpu.memory_space<hbm>>
      tpu.enqueue_dma source(%dma_start3A_48 : memref<625x16xf32, #tpu.memory_space<hbm>>) target(%dma_start3A_46 : memref<625x16xf32, #tpu.memory_space<vmem_shared>>) target_semaphore(%run_scoped3A : memref<!tpu.dma_semaphore, #tpu.memory_space<semaphore_mem>>)
      %dma_wait3A = arith.constant 0 : i32
      %dma_wait3A_49 = tpu.memref_slice %arg6[%mul3A_2, %dma_wait3A] : memref<10000x16xf32, #tpu.memory_space<vmem_shared>> -> memref<625x16xf32, #tpu.memory_space<vmem_shared>>
      %dma_wait3A_50 = arith.constant 0 : i32
      %dma_wait3A_51 = tpu.memref_slice %arg2[%mul3A_2, %dma_wait3A_50] : memref<10000x16xf32, #tpu.memory_space<hbm>> -> memref<625x16xf32, #tpu.memory_space<hbm>>
      tpu.wait_dma2 semaphore(%run_scoped3A : memref<!tpu.dma_semaphore, #tpu.memory_space<semaphore_mem>>) src(%dma_wait3A_51 : memref<625x16xf32, #tpu.memory_space<hbm>>) dst(%dma_wait3A_49 : memref<625x16xf32, #tpu.memory_space<vmem_shared>>)
      tpu.yield
    }) : () -> ()
    "tpu.region"() ({
      %run_scoped3A = tpu.sem_alloc : memref<!tpu.dma_semaphore, #tpu.memory_space<semaphore_mem>>
      %dma_start3A_45 = arith.constant 0 : i32
      %dma_start3A_46 = arith.constant 0 : i32
      %dma_start3A_47 = tpu.memref_slice %arg3[%add3A, %dma_start3A_45, %dma_start3A_46] : memref<32x250x40xi32, #tpu.memory_space<hbm>> -> memref<1x250x40xi32, #tpu.memory_space<hbm>>
      %dma_start3A_48 = tpu.memref_squeeze %dma_start3A_47 : memref<1x250x40xi32, #tpu.memory_space<hbm>> -> memref<250x40xi32, #tpu.memory_space<hbm>>
      %dma_start3A_49 = arith.constant 0 : i32
      %dma_start3A_50 = arith.constant 0 : i32
      %dma_start3A_51 = tpu.memref_slice %arg3[%add3A, %dma_start3A_49, %dma_start3A_50] : memref<32x250x40xi32, #tpu.memory_space<hbm>> -> memref<1x250x40xi32, #tpu.memory_space<hbm>>
      %dma_start3A_52 = tpu.memref_squeeze %dma_start3A_51 : memref<1x250x40xi32, #tpu.memory_space<hbm>> -> memref<250x40xi32, #tpu.memory_space<hbm>>
      tpu.enqueue_dma source(%dma_start3A_52 : memref<250x40xi32, #tpu.memory_space<hbm>>) target(%arg8 : memref<250x40xi32, #tpu.memory_space<vmem>>) target_semaphore(%run_scoped3A : memref<!tpu.dma_semaphore, #tpu.memory_space<semaphore_mem>>)
      %dma_wait3A = arith.constant 0 : i32
      %dma_wait3A_53 = arith.constant 0 : i32
      %dma_wait3A_54 = tpu.memref_slice %arg3[%add3A, %dma_wait3A, %dma_wait3A_53] : memref<32x250x40xi32, #tpu.memory_space<hbm>> -> memref<1x250x40xi32, #tpu.memory_space<hbm>>
      %dma_wait3A_55 = tpu.memref_squeeze %dma_wait3A_54 : memref<1x250x40xi32, #tpu.memory_space<hbm>> -> memref<250x40xi32, #tpu.memory_space<hbm>>
      %dma_wait3A_56 = arith.constant 0 : i32
      %dma_wait3A_57 = arith.constant 0 : i32
      %dma_wait3A_58 = tpu.memref_slice %arg3[%add3A, %dma_wait3A_56, %dma_wait3A_57] : memref<32x250x40xi32, #tpu.memory_space<hbm>> -> memref<1x250x40xi32, #tpu.memory_space<hbm>>
      %dma_wait3A_59 = tpu.memref_squeeze %dma_wait3A_58 : memref<1x250x40xi32, #tpu.memory_space<hbm>> -> memref<250x40xi32, #tpu.memory_space<hbm>>
      tpu.wait_dma2 semaphore(%run_scoped3A : memref<!tpu.dma_semaphore, #tpu.memory_space<semaphore_mem>>) src(%dma_wait3A_59 : memref<250x40xi32, #tpu.memory_space<hbm>>) dst(%arg8 : memref<250x40xi32, #tpu.memory_space<vmem>>)
      tpu.yield
    }) : () -> ()
    "tpu.region"() ({
      %run_scoped3A = tpu.sem_alloc : memref<!tpu.dma_semaphore, #tpu.memory_space<semaphore_mem>>
      %dma_start3A_45 = arith.constant 0 : i32
      %dma_start3A_46 = arith.constant 0 : i32
      %dma_start3A_47 = tpu.memref_slice %arg4[%add3A, %dma_start3A_45, %dma_start3A_46] : memref<32x250x40xi32, #tpu.memory_space<hbm>> -> memref<1x250x40xi32, #tpu.memory_space<hbm>>
      %dma_start3A_48 = tpu.memref_squeeze %dma_start3A_47 : memref<1x250x40xi32, #tpu.memory_space<hbm>> -> memref<250x40xi32, #tpu.memory_space<hbm>>
      %dma_start3A_49 = arith.constant 0 : i32
      %dma_start3A_50 = arith.constant 0 : i32
      %dma_start3A_51 = tpu.memref_slice %arg4[%add3A, %dma_start3A_49, %dma_start3A_50] : memref<32x250x40xi32, #tpu.memory_space<hbm>> -> memref<1x250x40xi32, #tpu.memory_space<hbm>>
      %dma_start3A_52 = tpu.memref_squeeze %dma_start3A_51 : memref<1x250x40xi32, #tpu.memory_space<hbm>> -> memref<250x40xi32, #tpu.memory_space<hbm>>
      tpu.enqueue_dma source(%dma_start3A_52 : memref<250x40xi32, #tpu.memory_space<hbm>>) target(%arg9 : memref<250x40xi32, #tpu.memory_space<vmem>>) target_semaphore(%run_scoped3A : memref<!tpu.dma_semaphore, #tpu.memory_space<semaphore_mem>>)
      %dma_wait3A = arith.constant 0 : i32
      %dma_wait3A_53 = arith.constant 0 : i32
      %dma_wait3A_54 = tpu.memref_slice %arg4[%add3A, %dma_wait3A, %dma_wait3A_53] : memref<32x250x40xi32, #tpu.memory_space<hbm>> -> memref<1x250x40xi32, #tpu.memory_space<hbm>>
      %dma_wait3A_55 = tpu.memref_squeeze %dma_wait3A_54 : memref<1x250x40xi32, #tpu.memory_space<hbm>> -> memref<250x40xi32, #tpu.memory_space<hbm>>
      %dma_wait3A_56 = arith.constant 0 : i32
      %dma_wait3A_57 = arith.constant 0 : i32
      %dma_wait3A_58 = tpu.memref_slice %arg4[%add3A, %dma_wait3A_56, %dma_wait3A_57] : memref<32x250x40xi32, #tpu.memory_space<hbm>> -> memref<1x250x40xi32, #tpu.memory_space<hbm>>
      %dma_wait3A_59 = tpu.memref_squeeze %dma_wait3A_58 : memref<1x250x40xi32, #tpu.memory_space<hbm>> -> memref<250x40xi32, #tpu.memory_space<hbm>>
      tpu.wait_dma2 semaphore(%run_scoped3A : memref<!tpu.dma_semaphore, #tpu.memory_space<semaphore_mem>>) src(%dma_wait3A_59 : memref<250x40xi32, #tpu.memory_space<hbm>>) dst(%arg9 : memref<250x40xi32, #tpu.memory_space<vmem>>)
      tpu.yield
    }) : () -> ()
    %barrier3A = arith.constant 0 : index
    tpu.barrier barrier_id(%barrier3A)
    %dma_start3A = arith.constant 0 : i32
    %dma_start3A_3 = arith.constant 0 : i32
    %dma_start3A_4 = tpu.memref_slice %arg8[%dma_start3A, %dma_start3A_3] : memref<250x40xi32, #tpu.memory_space<vmem>> -> memref<1x40xi32, #tpu.memory_space<vmem>>
    %dma_start3A_5 = tpu.memref_squeeze %dma_start3A_4 : memref<1x40xi32, #tpu.memory_space<vmem>> -> memref<40xi32, #tpu.memory_space<vmem>>
    %dma_start3A_6 = arith.constant 0 : i32
    %dma_start3A_7 = arith.constant 0 : i32
    %dma_start3A_8 = tpu.memref_slice %arg7[%dma_start3A_6, %dma_start3A_7] : memref<10000x16xf32, #tpu.memory_space<vmem_shared>> -> memref<10000x16xf32, #tpu.memory_space<vmem_shared>>
    tpu.enqueue_indirect_dma source(%dma_start3A_8 : memref<10000x16xf32, #tpu.memory_space<vmem_shared>>) target(%arg10 : memref<40x16xf32, #tpu.memory_space<vmem>>) offsets(%dma_start3A_5 : memref<40xi32, #tpu.memory_space<vmem>>) semaphore(%arg15 : memref<!tpu.dma_semaphore, #tpu.memory_space<semaphore_mem>>)
    %dma_start3A_9 = arith.constant 1 : i32
    %dma_start3A_10 = arith.constant 0 : i32
    %dma_start3A_11 = tpu.memref_slice %arg8[%dma_start3A_9, %dma_start3A_10] : memref<250x40xi32, #tpu.memory_space<vmem>> -> memref<1x40xi32, #tpu.memory_space<vmem>>
    %dma_start3A_12 = tpu.memref_squeeze %dma_start3A_11 : memref<1x40xi32, #tpu.memory_space<vmem>> -> memref<40xi32, #tpu.memory_space<vmem>>
    %dma_start3A_13 = arith.constant 0 : i32
    %dma_start3A_14 = arith.constant 0 : i32
    %dma_start3A_15 = tpu.memref_slice %arg7[%dma_start3A_13, %dma_start3A_14] : memref<10000x16xf32, #tpu.memory_space<vmem_shared>> -> memref<10000x16xf32, #tpu.memory_space<vmem_shared>>
    tpu.enqueue_indirect_dma source(%dma_start3A_15 : memref<10000x16xf32, #tpu.memory_space<vmem_shared>>) target(%arg11 : memref<40x16xf32, #tpu.memory_space<vmem>>) offsets(%dma_start3A_12 : memref<40xi32, #tpu.memory_space<vmem>>) semaphore(%arg16 : memref<!tpu.dma_semaphore, #tpu.memory_space<semaphore_mem>>)
    %dma_start3A_16 = arith.constant 2 : i32
    %dma_start3A_17 = arith.constant 0 : i32
    %dma_start3A_18 = tpu.memref_slice %arg8[%dma_start3A_16, %dma_start3A_17] : memref<250x40xi32, #tpu.memory_space<vmem>> -> memref<1x40xi32, #tpu.memory_space<vmem>>
    %dma_start3A_19 = tpu.memref_squeeze %dma_start3A_18 : memref<1x40xi32, #tpu.memory_space<vmem>> -> memref<40xi32, #tpu.memory_space<vmem>>
    %dma_start3A_20 = arith.constant 0 : i32
    %dma_start3A_21 = arith.constant 0 : i32
    %dma_start3A_22 = tpu.memref_slice %arg7[%dma_start3A_20, %dma_start3A_21] : memref<10000x16xf32, #tpu.memory_space<vmem_shared>> -> memref<10000x16xf32, #tpu.memory_space<vmem_shared>>
    tpu.enqueue_indirect_dma source(%dma_start3A_22 : memref<10000x16xf32, #tpu.memory_space<vmem_shared>>) target(%arg12 : memref<40x16xf32, #tpu.memory_space<vmem>>) offsets(%dma_start3A_19 : memref<40xi32, #tpu.memory_space<vmem>>) semaphore(%arg17 : memref<!tpu.dma_semaphore, #tpu.memory_space<semaphore_mem>>)
    %dma_start3A_23 = arith.constant 3 : i32
    %dma_start3A_24 = arith.constant 0 : i32
    %dma_start3A_25 = tpu.memref_slice %arg8[%dma_start3A_23, %dma_start3A_24] : memref<250x40xi32, #tpu.memory_space<vmem>> -> memref<1x40xi32, #tpu.memory_space<vmem>>
    %dma_start3A_26 = tpu.memref_squeeze %dma_start3A_25 : memref<1x40xi32, #tpu.memory_space<vmem>> -> memref<40xi32, #tpu.memory_space<vmem>>
    %dma_start3A_27 = arith.constant 0 : i32
    %dma_start3A_28 = arith.constant 0 : i32
    %dma_start3A_29 = tpu.memref_slice %arg7[%dma_start3A_27, %dma_start3A_28] : memref<10000x16xf32, #tpu.memory_space<vmem_shared>> -> memref<10000x16xf32, #tpu.memory_space<vmem_shared>>
    tpu.enqueue_indirect_dma source(%dma_start3A_29 : memref<10000x16xf32, #tpu.memory_space<vmem_shared>>) target(%arg13 : memref<40x16xf32, #tpu.memory_space<vmem>>) offsets(%dma_start3A_26 : memref<40xi32, #tpu.memory_space<vmem>>) semaphore(%arg18 : memref<!tpu.dma_semaphore, #tpu.memory_space<semaphore_mem>>)
    %dma_start3A_30 = arith.constant 4 : i32
    %dma_start3A_31 = arith.constant 0 : i32
    %dma_start3A_32 = tpu.memref_slice %arg8[%dma_start3A_30, %dma_start3A_31] : memref<250x40xi32, #tpu.memory_space<vmem>> -> memref<1x40xi32, #tpu.memory_space<vmem>>
    %dma_start3A_33 = tpu.memref_squeeze %dma_start3A_32 : memref<1x40xi32, #tpu.memory_space<vmem>> -> memref<40xi32, #tpu.memory_space<vmem>>
    %dma_start3A_34 = arith.constant 0 : i32
    %dma_start3A_35 = arith.constant 0 : i32
    %dma_start3A_36 = tpu.memref_slice %arg7[%dma_start3A_34, %dma_start3A_35] : memref<10000x16xf32, #tpu.memory_space<vmem_shared>> -> memref<10000x16xf32, #tpu.memory_space<vmem_shared>>
    tpu.enqueue_indirect_dma source(%dma_start3A_36 : memref<10000x16xf32, #tpu.memory_space<vmem_shared>>) target(%arg14 : memref<40x16xf32, #tpu.memory_space<vmem>>) offsets(%dma_start3A_33 : memref<40xi32, #tpu.memory_space<vmem>>) semaphore(%arg19 : memref<!tpu.dma_semaphore, #tpu.memory_space<semaphore_mem>>)
    %scan3A = arith.constant 0 : i32
    %scan3A_37 = arith.constant 0 : i32
    %scan3A_38 = arith.constant 50 : i32
    %scan3A_39 = arith.addi %scan3A_37, %scan3A_38 : i32
    %scan3A_40 = arith.constant 1 : i32
    scf.for %scan3A_45 = %scan3A_37 to %scan3A_39 step %scan3A_40  : i32 {
      %mul3A_46 = arith.constant 5 : i32
      %mul3A_47 = arith.muli %scan3A_45, %mul3A_46 : i32
      %dma_wait3A = arith.constant 0 : i32
      %dma_wait3A_48 = arith.constant 0 : i32
      %dma_wait3A_49 = tpu.memref_slice %arg8[%dma_wait3A, %dma_wait3A_48] : memref<250x40xi32, #tpu.memory_space<vmem>> -> memref<1x40xi32, #tpu.memory_space<vmem>>
      %dma_wait3A_50 = tpu.memref_squeeze %dma_wait3A_49 : memref<1x40xi32, #tpu.memory_space<vmem>> -> memref<40xi32, #tpu.memory_space<vmem>>
      %dma_wait3A_51 = arith.constant 0 : i32
      %dma_wait3A_52 = arith.constant 0 : i32
      %dma_wait3A_53 = tpu.memref_slice %arg7[%dma_wait3A_51, %dma_wait3A_52] : memref<10000x16xf32, #tpu.memory_space<vmem_shared>> -> memref<10000x16xf32, #tpu.memory_space<vmem_shared>>
      tpu.wait_indirect_dma semaphore(%arg15 : memref<!tpu.dma_semaphore, #tpu.memory_space<semaphore_mem>>) src(%dma_wait3A_53 : memref<10000x16xf32, #tpu.memory_space<vmem_shared>>) dst(%arg10 : memref<40x16xf32, #tpu.memory_space<vmem>>)
      %add3A_54 = arith.constant 0 : i32
      %add3A_55 = arith.addi %mul3A_47, %add3A_54 : i32
      %dma_start3A_56 = arith.constant 0 : i32
      %dma_start3A_57 = tpu.memref_slice %arg9[%add3A_55, %dma_start3A_56] : memref<250x40xi32, #tpu.memory_space<vmem>> -> memref<1x40xi32, #tpu.memory_space<vmem>>
      %dma_start3A_58 = tpu.memref_squeeze %dma_start3A_57 : memref<1x40xi32, #tpu.memory_space<vmem>> -> memref<40xi32, #tpu.memory_space<vmem>>
      %dma_start3A_59 = arith.constant 0 : i32
      %dma_start3A_60 = arith.constant 0 : i32
      %dma_start3A_61 = tpu.memref_slice %arg6[%dma_start3A_59, %dma_start3A_60] : memref<10000x16xf32, #tpu.memory_space<vmem_shared>> -> memref<10000x16xf32, #tpu.memory_space<vmem_shared>>
      tpu.enqueue_indirect_dma source(%arg10 : memref<40x16xf32, #tpu.memory_space<vmem>>) target(%dma_start3A_61 : memref<10000x16xf32, #tpu.memory_space<vmem_shared>>) offsets(%dma_start3A_58 : memref<40xi32, #tpu.memory_space<vmem>>) semaphore(%arg20 : memref<!tpu.dma_semaphore, #tpu.memory_space<semaphore_mem>>) {add = true}
      %dma_wait3A_62 = arith.constant 0 : i32
      %dma_wait3A_63 = arith.constant 0 : i32
      %dma_wait3A_64 = tpu.memref_slice %arg8[%dma_wait3A_62, %dma_wait3A_63] : memref<250x40xi32, #tpu.memory_space<vmem>> -> memref<1x40xi32, #tpu.memory_space<vmem>>
      %dma_wait3A_65 = tpu.memref_squeeze %dma_wait3A_64 : memref<1x40xi32, #tpu.memory_space<vmem>> -> memref<40xi32, #tpu.memory_space<vmem>>
      %dma_wait3A_66 = arith.constant 0 : i32
      %dma_wait3A_67 = arith.constant 0 : i32
      %dma_wait3A_68 = tpu.memref_slice %arg7[%dma_wait3A_66, %dma_wait3A_67] : memref<10000x16xf32, #tpu.memory_space<vmem_shared>> -> memref<10000x16xf32, #tpu.memory_space<vmem_shared>>
      tpu.wait_indirect_dma semaphore(%arg16 : memref<!tpu.dma_semaphore, #tpu.memory_space<semaphore_mem>>) src(%dma_wait3A_68 : memref<10000x16xf32, #tpu.memory_space<vmem_shared>>) dst(%arg11 : memref<40x16xf32, #tpu.memory_space<vmem>>)
      %add3A_69 = arith.constant 1 : i32
      %add3A_70 = arith.addi %mul3A_47, %add3A_69 : i32
      %dma_start3A_71 = arith.constant 0 : i32
      %dma_start3A_72 = tpu.memref_slice %arg9[%add3A_70, %dma_start3A_71] : memref<250x40xi32, #tpu.memory_space<vmem>> -> memref<1x40xi32, #tpu.memory_space<vmem>>
      %dma_start3A_73 = tpu.memref_squeeze %dma_start3A_72 : memref<1x40xi32, #tpu.memory_space<vmem>> -> memref<40xi32, #tpu.memory_space<vmem>>
      %dma_start3A_74 = arith.constant 0 : i32
      %dma_start3A_75 = arith.constant 0 : i32
      %dma_start3A_76 = tpu.memref_slice %arg6[%dma_start3A_74, %dma_start3A_75] : memref<10000x16xf32, #tpu.memory_space<vmem_shared>> -> memref<10000x16xf32, #tpu.memory_space<vmem_shared>>
      tpu.enqueue_indirect_dma source(%arg11 : memref<40x16xf32, #tpu.memory_space<vmem>>) target(%dma_start3A_76 : memref<10000x16xf32, #tpu.memory_space<vmem_shared>>) offsets(%dma_start3A_73 : memref<40xi32, #tpu.memory_space<vmem>>) semaphore(%arg21 : memref<!tpu.dma_semaphore, #tpu.memory_space<semaphore_mem>>) {add = true}
      %dma_wait3A_77 = arith.constant 0 : i32
      %dma_wait3A_78 = arith.constant 0 : i32
      %dma_wait3A_79 = tpu.memref_slice %arg8[%dma_wait3A_77, %dma_wait3A_78] : memref<250x40xi32, #tpu.memory_space<vmem>> -> memref<1x40xi32, #tpu.memory_space<vmem>>
      %dma_wait3A_80 = tpu.memref_squeeze %dma_wait3A_79 : memref<1x40xi32, #tpu.memory_space<vmem>> -> memref<40xi32, #tpu.memory_space<vmem>>
      %dma_wait3A_81 = arith.constant 0 : i32
      %dma_wait3A_82 = arith.constant 0 : i32
      %dma_wait3A_83 = tpu.memref_slice %arg7[%dma_wait3A_81, %dma_wait3A_82] : memref<10000x16xf32, #tpu.memory_space<vmem_shared>> -> memref<10000x16xf32, #tpu.memory_space<vmem_shared>>
      tpu.wait_indirect_dma semaphore(%arg17 : memref<!tpu.dma_semaphore, #tpu.memory_space<semaphore_mem>>) src(%dma_wait3A_83 : memref<10000x16xf32, #tpu.memory_space<vmem_shared>>) dst(%arg12 : memref<40x16xf32, #tpu.memory_space<vmem>>)
      %add3A_84 = arith.constant 2 : i32
      %add3A_85 = arith.addi %mul3A_47, %add3A_84 : i32
      %dma_start3A_86 = arith.constant 0 : i32
      %dma_start3A_87 = tpu.memref_slice %arg9[%add3A_85, %dma_start3A_86] : memref<250x40xi32, #tpu.memory_space<vmem>> -> memref<1x40xi32, #tpu.memory_space<vmem>>
      %dma_start3A_88 = tpu.memref_squeeze %dma_start3A_87 : memref<1x40xi32, #tpu.memory_space<vmem>> -> memref<40xi32, #tpu.memory_space<vmem>>
      %dma_start3A_89 = arith.constant 0 : i32
      %dma_start3A_90 = arith.constant 0 : i32
      %dma_start3A_91 = tpu.memref_slice %arg6[%dma_start3A_89, %dma_start3A_90] : memref<10000x16xf32, #tpu.memory_space<vmem_shared>> -> memref<10000x16xf32, #tpu.memory_space<vmem_shared>>
      tpu.enqueue_indirect_dma source(%arg12 : memref<40x16xf32, #tpu.memory_space<vmem>>) target(%dma_start3A_91 : memref<10000x16xf32, #tpu.memory_space<vmem_shared>>) offsets(%dma_start3A_88 : memref<40xi32, #tpu.memory_space<vmem>>) semaphore(%arg22 : memref<!tpu.dma_semaphore, #tpu.memory_space<semaphore_mem>>) {add = true}
      %dma_wait3A_92 = arith.constant 0 : i32
      %dma_wait3A_93 = arith.constant 0 : i32
      %dma_wait3A_94 = tpu.memref_slice %arg8[%dma_wait3A_92, %dma_wait3A_93] : memref<250x40xi32, #tpu.memory_space<vmem>> -> memref<1x40xi32, #tpu.memory_space<vmem>>
      %dma_wait3A_95 = tpu.memref_squeeze %dma_wait3A_94 : memref<1x40xi32, #tpu.memory_space<vmem>> -> memref<40xi32, #tpu.memory_space<vmem>>
      %dma_wait3A_96 = arith.constant 0 : i32
      %dma_wait3A_97 = arith.constant 0 : i32
      %dma_wait3A_98 = tpu.memref_slice %arg7[%dma_wait3A_96, %dma_wait3A_97] : memref<10000x16xf32, #tpu.memory_space<vmem_shared>> -> memref<10000x16xf32, #tpu.memory_space<vmem_shared>>
      tpu.wait_indirect_dma semaphore(%arg18 : memref<!tpu.dma_semaphore, #tpu.memory_space<semaphore_mem>>) src(%dma_wait3A_98 : memref<10000x16xf32, #tpu.memory_space<vmem_shared>>) dst(%arg13 : memref<40x16xf32, #tpu.memory_space<vmem>>)
      %add3A_99 = arith.constant 3 : i32
      %add3A_100 = arith.addi %mul3A_47, %add3A_99 : i32
      %dma_start3A_101 = arith.constant 0 : i32
      %dma_start3A_102 = tpu.memref_slice %arg9[%add3A_100, %dma_start3A_101] : memref<250x40xi32, #tpu.memory_space<vmem>> -> memref<1x40xi32, #tpu.memory_space<vmem>>
      %dma_start3A_103 = tpu.memref_squeeze %dma_start3A_102 : memref<1x40xi32, #tpu.memory_space<vmem>> -> memref<40xi32, #tpu.memory_space<vmem>>
      %dma_start3A_104 = arith.constant 0 : i32
      %dma_start3A_105 = arith.constant 0 : i32
      %dma_start3A_106 = tpu.memref_slice %arg6[%dma_start3A_104, %dma_start3A_105] : memref<10000x16xf32, #tpu.memory_space<vmem_shared>> -> memref<10000x16xf32, #tpu.memory_space<vmem_shared>>
      tpu.enqueue_indirect_dma source(%arg13 : memref<40x16xf32, #tpu.memory_space<vmem>>) target(%dma_start3A_106 : memref<10000x16xf32, #tpu.memory_space<vmem_shared>>) offsets(%dma_start3A_103 : memref<40xi32, #tpu.memory_space<vmem>>) semaphore(%arg23 : memref<!tpu.dma_semaphore, #tpu.memory_space<semaphore_mem>>) {add = true}
      %dma_wait3A_107 = arith.constant 0 : i32
      %dma_wait3A_108 = arith.constant 0 : i32
      %dma_wait3A_109 = tpu.memref_slice %arg8[%dma_wait3A_107, %dma_wait3A_108] : memref<250x40xi32, #tpu.memory_space<vmem>> -> memref<1x40xi32, #tpu.memory_space<vmem>>
      %dma_wait3A_110 = tpu.memref_squeeze %dma_wait3A_109 : memref<1x40xi32, #tpu.memory_space<vmem>> -> memref<40xi32, #tpu.memory_space<vmem>>
      %dma_wait3A_111 = arith.constant 0 : i32
      %dma_wait3A_112 = arith.constant 0 : i32
      %dma_wait3A_113 = tpu.memref_slice %arg7[%dma_wait3A_111, %dma_wait3A_112] : memref<10000x16xf32, #tpu.memory_space<vmem_shared>> -> memref<10000x16xf32, #tpu.memory_space<vmem_shared>>
      tpu.wait_indirect_dma semaphore(%arg19 : memref<!tpu.dma_semaphore, #tpu.memory_space<semaphore_mem>>) src(%dma_wait3A_113 : memref<10000x16xf32, #tpu.memory_space<vmem_shared>>) dst(%arg14 : memref<40x16xf32, #tpu.memory_space<vmem>>)
      %add3A_114 = arith.constant 4 : i32
      %add3A_115 = arith.addi %mul3A_47, %add3A_114 : i32
      %dma_start3A_116 = arith.constant 0 : i32
      %dma_start3A_117 = tpu.memref_slice %arg9[%add3A_115, %dma_start3A_116] : memref<250x40xi32, #tpu.memory_space<vmem>> -> memref<1x40xi32, #tpu.memory_space<vmem>>
      %dma_start3A_118 = tpu.memref_squeeze %dma_start3A_117 : memref<1x40xi32, #tpu.memory_space<vmem>> -> memref<40xi32, #tpu.memory_space<vmem>>
      %dma_start3A_119 = arith.constant 0 : i32
      %dma_start3A_120 = arith.constant 0 : i32
      %dma_start3A_121 = tpu.memref_slice %arg6[%dma_start3A_119, %dma_start3A_120] : memref<10000x16xf32, #tpu.memory_space<vmem_shared>> -> memref<10000x16xf32, #tpu.memory_space<vmem_shared>>
      tpu.enqueue_indirect_dma source(%arg14 : memref<40x16xf32, #tpu.memory_space<vmem>>) target(%dma_start3A_121 : memref<10000x16xf32, #tpu.memory_space<vmem_shared>>) offsets(%dma_start3A_118 : memref<40xi32, #tpu.memory_space<vmem>>) semaphore(%arg24 : memref<!tpu.dma_semaphore, #tpu.memory_space<semaphore_mem>>) {add = true}
      %dma_wait3A_122 = arith.constant 0 : i32
      %dma_wait3A_123 = arith.constant 0 : i32
      %dma_wait3A_124 = tpu.memref_slice %arg9[%dma_wait3A_122, %dma_wait3A_123] : memref<250x40xi32, #tpu.memory_space<vmem>> -> memref<1x40xi32, #tpu.memory_space<vmem>>
      %dma_wait3A_125 = tpu.memref_squeeze %dma_wait3A_124 : memref<1x40xi32, #tpu.memory_space<vmem>> -> memref<40xi32, #tpu.memory_space<vmem>>
      %dma_wait3A_126 = arith.constant 0 : i32
      %dma_wait3A_127 = arith.constant 0 : i32
      %dma_wait3A_128 = tpu.memref_slice %arg6[%dma_wait3A_126, %dma_wait3A_127] : memref<10000x16xf32, #tpu.memory_space<vmem_shared>> -> memref<10000x16xf32, #tpu.memory_space<vmem_shared>>
      tpu.wait_indirect_dma semaphore(%arg20 : memref<!tpu.dma_semaphore, #tpu.memory_space<semaphore_mem>>) src(%arg10 : memref<40x16xf32, #tpu.memory_space<vmem>>) dst(%dma_wait3A_128 : memref<10000x16xf32, #tpu.memory_space<vmem_shared>>)
      %add3A_129 = arith.constant 5 : i32
      %add3A_130 = arith.addi %mul3A_47, %add3A_129 : i32
      %add3A_131 = arith.constant 0 : i32
      %add3A_132 = arith.addi %add3A_130, %add3A_131 : i32
      %lt3A_133 = arith.constant 250 : i32
      %lt3A_134 = arith.cmpi slt, %add3A_132, %lt3A_133 : i32
      %convert_element_type3A_135 = arith.extui %lt3A_134 : i1 to i32
      %cond3A_136 = arith.constant 0 : i32
      %cond3A_137 = arith.cmpi ne, %convert_element_type3A_135, %cond3A_136 : i32
      scf.if %cond3A_137 {
        %dma_start3A_202 = arith.constant 0 : i32
        %dma_start3A_203 = tpu.memref_slice %arg8[%add3A_132, %dma_start3A_202] : memref<250x40xi32, #tpu.memory_space<vmem>> -> memref<1x40xi32, #tpu.memory_space<vmem>>
        %dma_start3A_204 = tpu.memref_squeeze %dma_start3A_203 : memref<1x40xi32, #tpu.memory_space<vmem>> -> memref<40xi32, #tpu.memory_space<vmem>>
        %dma_start3A_205 = arith.constant 0 : i32
        %dma_start3A_206 = arith.constant 0 : i32
        %dma_start3A_207 = tpu.memref_slice %arg7[%dma_start3A_205, %dma_start3A_206] : memref<10000x16xf32, #tpu.memory_space<vmem_shared>> -> memref<10000x16xf32, #tpu.memory_space<vmem_shared>>
        tpu.enqueue_indirect_dma source(%dma_start3A_207 : memref<10000x16xf32, #tpu.memory_space<vmem_shared>>) target(%arg10 : memref<40x16xf32, #tpu.memory_space<vmem>>) offsets(%dma_start3A_204 : memref<40xi32, #tpu.memory_space<vmem>>) semaphore(%arg15 : memref<!tpu.dma_semaphore, #tpu.memory_space<semaphore_mem>>)
      } else {
      }
      %dma_wait3A_138 = arith.constant 0 : i32
      %dma_wait3A_139 = arith.constant 0 : i32
      %dma_wait3A_140 = tpu.memref_slice %arg9[%dma_wait3A_138, %dma_wait3A_139] : memref<250x40xi32, #tpu.memory_space<vmem>> -> memref<1x40xi32, #tpu.memory_space<vmem>>
      %dma_wait3A_141 = tpu.memref_squeeze %dma_wait3A_140 : memref<1x40xi32, #tpu.memory_space<vmem>> -> memref<40xi32, #tpu.memory_space<vmem>>
      %dma_wait3A_142 = arith.constant 0 : i32
      %dma_wait3A_143 = arith.constant 0 : i32
      %dma_wait3A_144 = tpu.memref_slice %arg6[%dma_wait3A_142, %dma_wait3A_143] : memref<10000x16xf32, #tpu.memory_space<vmem_shared>> -> memref<10000x16xf32, #tpu.memory_space<vmem_shared>>
      tpu.wait_indirect_dma semaphore(%arg21 : memref<!tpu.dma_semaphore, #tpu.memory_space<semaphore_mem>>) src(%arg11 : memref<40x16xf32, #tpu.memory_space<vmem>>) dst(%dma_wait3A_144 : memref<10000x16xf32, #tpu.memory_space<vmem_shared>>)
      %add3A_145 = arith.constant 5 : i32
      %add3A_146 = arith.addi %mul3A_47, %add3A_145 : i32
      %add3A_147 = arith.constant 1 : i32
      %add3A_148 = arith.addi %add3A_146, %add3A_147 : i32
      %lt3A_149 = arith.constant 250 : i32
      %lt3A_150 = arith.cmpi slt, %add3A_148, %lt3A_149 : i32
      %convert_element_type3A_151 = arith.extui %lt3A_150 : i1 to i32
      %cond3A_152 = arith.constant 0 : i32
      %cond3A_153 = arith.cmpi ne, %convert_element_type3A_151, %cond3A_152 : i32
      scf.if %cond3A_153 {
        %dma_start3A_202 = arith.constant 0 : i32
        %dma_start3A_203 = tpu.memref_slice %arg8[%add3A_148, %dma_start3A_202] : memref<250x40xi32, #tpu.memory_space<vmem>> -> memref<1x40xi32, #tpu.memory_space<vmem>>
        %dma_start3A_204 = tpu.memref_squeeze %dma_start3A_203 : memref<1x40xi32, #tpu.memory_space<vmem>> -> memref<40xi32, #tpu.memory_space<vmem>>
        %dma_start3A_205 = arith.constant 0 : i32
        %dma_start3A_206 = arith.constant 0 : i32
        %dma_start3A_207 = tpu.memref_slice %arg7[%dma_start3A_205, %dma_start3A_206] : memref<10000x16xf32, #tpu.memory_space<vmem_shared>> -> memref<10000x16xf32, #tpu.memory_space<vmem_shared>>
        tpu.enqueue_indirect_dma source(%dma_start3A_207 : memref<10000x16xf32, #tpu.memory_space<vmem_shared>>) target(%arg11 : memref<40x16xf32, #tpu.memory_space<vmem>>) offsets(%dma_start3A_204 : memref<40xi32, #tpu.memory_space<vmem>>) semaphore(%arg16 : memref<!tpu.dma_semaphore, #tpu.memory_space<semaphore_mem>>)
      } else {
      }
      %dma_wait3A_154 = arith.constant 0 : i32
      %dma_wait3A_155 = arith.constant 0 : i32
      %dma_wait3A_156 = tpu.memref_slice %arg9[%dma_wait3A_154, %dma_wait3A_155] : memref<250x40xi32, #tpu.memory_space<vmem>> -> memref<1x40xi32, #tpu.memory_space<vmem>>
      %dma_wait3A_157 = tpu.memref_squeeze %dma_wait3A_156 : memref<1x40xi32, #tpu.memory_space<vmem>> -> memref<40xi32, #tpu.memory_space<vmem>>
      %dma_wait3A_158 = arith.constant 0 : i32
      %dma_wait3A_159 = arith.constant 0 : i32
      %dma_wait3A_160 = tpu.memref_slice %arg6[%dma_wait3A_158, %dma_wait3A_159] : memref<10000x16xf32, #tpu.memory_space<vmem_shared>> -> memref<10000x16xf32, #tpu.memory_space<vmem_shared>>
      tpu.wait_indirect_dma semaphore(%arg22 : memref<!tpu.dma_semaphore, #tpu.memory_space<semaphore_mem>>) src(%arg12 : memref<40x16xf32, #tpu.memory_space<vmem>>) dst(%dma_wait3A_160 : memref<10000x16xf32, #tpu.memory_space<vmem_shared>>)
      %add3A_161 = arith.constant 5 : i32
      %add3A_162 = arith.addi %mul3A_47, %add3A_161 : i32
      %add3A_163 = arith.constant 2 : i32
      %add3A_164 = arith.addi %add3A_162, %add3A_163 : i32
      %lt3A_165 = arith.constant 250 : i32
      %lt3A_166 = arith.cmpi slt, %add3A_164, %lt3A_165 : i32
      %convert_element_type3A_167 = arith.extui %lt3A_166 : i1 to i32
      %cond3A_168 = arith.constant 0 : i32
      %cond3A_169 = arith.cmpi ne, %convert_element_type3A_167, %cond3A_168 : i32
      scf.if %cond3A_169 {
        %dma_start3A_202 = arith.constant 0 : i32
        %dma_start3A_203 = tpu.memref_slice %arg8[%add3A_164, %dma_start3A_202] : memref<250x40xi32, #tpu.memory_space<vmem>> -> memref<1x40xi32, #tpu.memory_space<vmem>>
        %dma_start3A_204 = tpu.memref_squeeze %dma_start3A_203 : memref<1x40xi32, #tpu.memory_space<vmem>> -> memref<40xi32, #tpu.memory_space<vmem>>
        %dma_start3A_205 = arith.constant 0 : i32
        %dma_start3A_206 = arith.constant 0 : i32
        %dma_start3A_207 = tpu.memref_slice %arg7[%dma_start3A_205, %dma_start3A_206] : memref<10000x16xf32, #tpu.memory_space<vmem_shared>> -> memref<10000x16xf32, #tpu.memory_space<vmem_shared>>
        tpu.enqueue_indirect_dma source(%dma_start3A_207 : memref<10000x16xf32, #tpu.memory_space<vmem_shared>>) target(%arg12 : memref<40x16xf32, #tpu.memory_space<vmem>>) offsets(%dma_start3A_204 : memref<40xi32, #tpu.memory_space<vmem>>) semaphore(%arg17 : memref<!tpu.dma_semaphore, #tpu.memory_space<semaphore_mem>>)
      } else {
      }
      %dma_wait3A_170 = arith.constant 0 : i32
      %dma_wait3A_171 = arith.constant 0 : i32
      %dma_wait3A_172 = tpu.memref_slice %arg9[%dma_wait3A_170, %dma_wait3A_171] : memref<250x40xi32, #tpu.memory_space<vmem>> -> memref<1x40xi32, #tpu.memory_space<vmem>>
      %dma_wait3A_173 = tpu.memref_squeeze %dma_wait3A_172 : memref<1x40xi32, #tpu.memory_space<vmem>> -> memref<40xi32, #tpu.memory_space<vmem>>
      %dma_wait3A_174 = arith.constant 0 : i32
      %dma_wait3A_175 = arith.constant 0 : i32
      %dma_wait3A_176 = tpu.memref_slice %arg6[%dma_wait3A_174, %dma_wait3A_175] : memref<10000x16xf32, #tpu.memory_space<vmem_shared>> -> memref<10000x16xf32, #tpu.memory_space<vmem_shared>>
      tpu.wait_indirect_dma semaphore(%arg23 : memref<!tpu.dma_semaphore, #tpu.memory_space<semaphore_mem>>) src(%arg13 : memref<40x16xf32, #tpu.memory_space<vmem>>) dst(%dma_wait3A_176 : memref<10000x16xf32, #tpu.memory_space<vmem_shared>>)
      %add3A_177 = arith.constant 5 : i32
      %add3A_178 = arith.addi %mul3A_47, %add3A_177 : i32
      %add3A_179 = arith.constant 3 : i32
      %add3A_180 = arith.addi %add3A_178, %add3A_179 : i32
      %lt3A_181 = arith.constant 250 : i32
      %lt3A_182 = arith.cmpi slt, %add3A_180, %lt3A_181 : i32
      %convert_element_type3A_183 = arith.extui %lt3A_182 : i1 to i32
      %cond3A_184 = arith.constant 0 : i32
      %cond3A_185 = arith.cmpi ne, %convert_element_type3A_183, %cond3A_184 : i32
      scf.if %cond3A_185 {
        %dma_start3A_202 = arith.constant 0 : i32
        %dma_start3A_203 = tpu.memref_slice %arg8[%add3A_180, %dma_start3A_202] : memref<250x40xi32, #tpu.memory_space<vmem>> -> memref<1x40xi32, #tpu.memory_space<vmem>>
        %dma_start3A_204 = tpu.memref_squeeze %dma_start3A_203 : memref<1x40xi32, #tpu.memory_space<vmem>> -> memref<40xi32, #tpu.memory_space<vmem>>
        %dma_start3A_205 = arith.constant 0 : i32
        %dma_start3A_206 = arith.constant 0 : i32
        %dma_start3A_207 = tpu.memref_slice %arg7[%dma_start3A_205, %dma_start3A_206] : memref<10000x16xf32, #tpu.memory_space<vmem_shared>> -> memref<10000x16xf32, #tpu.memory_space<vmem_shared>>
        tpu.enqueue_indirect_dma source(%dma_start3A_207 : memref<10000x16xf32, #tpu.memory_space<vmem_shared>>) target(%arg13 : memref<40x16xf32, #tpu.memory_space<vmem>>) offsets(%dma_start3A_204 : memref<40xi32, #tpu.memory_space<vmem>>) semaphore(%arg18 : memref<!tpu.dma_semaphore, #tpu.memory_space<semaphore_mem>>)
      } else {
      }
      %dma_wait3A_186 = arith.constant 0 : i32
      %dma_wait3A_187 = arith.constant 0 : i32
      %dma_wait3A_188 = tpu.memref_slice %arg9[%dma_wait3A_186, %dma_wait3A_187] : memref<250x40xi32, #tpu.memory_space<vmem>> -> memref<1x40xi32, #tpu.memory_space<vmem>>
      %dma_wait3A_189 = tpu.memref_squeeze %dma_wait3A_188 : memref<1x40xi32, #tpu.memory_space<vmem>> -> memref<40xi32, #tpu.memory_space<vmem>>
      %dma_wait3A_190 = arith.constant 0 : i32
      %dma_wait3A_191 = arith.constant 0 : i32
      %dma_wait3A_192 = tpu.memref_slice %arg6[%dma_wait3A_190, %dma_wait3A_191] : memref<10000x16xf32, #tpu.memory_space<vmem_shared>> -> memref<10000x16xf32, #tpu.memory_space<vmem_shared>>
      tpu.wait_indirect_dma semaphore(%arg24 : memref<!tpu.dma_semaphore, #tpu.memory_space<semaphore_mem>>) src(%arg14 : memref<40x16xf32, #tpu.memory_space<vmem>>) dst(%dma_wait3A_192 : memref<10000x16xf32, #tpu.memory_space<vmem_shared>>)
      %add3A_193 = arith.constant 5 : i32
      %add3A_194 = arith.addi %mul3A_47, %add3A_193 : i32
      %add3A_195 = arith.constant 4 : i32
      %add3A_196 = arith.addi %add3A_194, %add3A_195 : i32
      %lt3A_197 = arith.constant 250 : i32
      %lt3A_198 = arith.cmpi slt, %add3A_196, %lt3A_197 : i32
      %convert_element_type3A_199 = arith.extui %lt3A_198 : i1 to i32
      %cond3A_200 = arith.constant 0 : i32
      %cond3A_201 = arith.cmpi ne, %convert_element_type3A_199, %cond3A_200 : i32
      scf.if %cond3A_201 {
        %dma_start3A_202 = arith.constant 0 : i32
        %dma_start3A_203 = tpu.memref_slice %arg8[%add3A_196, %dma_start3A_202] : memref<250x40xi32, #tpu.memory_space<vmem>> -> memref<1x40xi32, #tpu.memory_space<vmem>>
        %dma_start3A_204 = tpu.memref_squeeze %dma_start3A_203 : memref<1x40xi32, #tpu.memory_space<vmem>> -> memref<40xi32, #tpu.memory_space<vmem>>
        %dma_start3A_205 = arith.constant 0 : i32
        %dma_start3A_206 = arith.constant 0 : i32
        %dma_start3A_207 = tpu.memref_slice %arg7[%dma_start3A_205, %dma_start3A_206] : memref<10000x16xf32, #tpu.memory_space<vmem_shared>> -> memref<10000x16xf32, #tpu.memory_space<vmem_shared>>
        tpu.enqueue_indirect_dma source(%dma_start3A_207 : memref<10000x16xf32, #tpu.memory_space<vmem_shared>>) target(%arg14 : memref<40x16xf32, #tpu.memory_space<vmem>>) offsets(%dma_start3A_204 : memref<40xi32, #tpu.memory_space<vmem>>) semaphore(%arg19 : memref<!tpu.dma_semaphore, #tpu.memory_space<semaphore_mem>>)
      } else {
      }
    }
    %scan3A_41 = arith.constant 50 : i32
    %barrier3A_42 = arith.constant 0 : index
    tpu.barrier barrier_id(%barrier3A_42)
    %lt3A = arith.constant 2 : i32
    %lt3A_43 = arith.cmpi slt, %arg1, %lt3A : i32
    %convert_element_type3A = arith.extui %lt3A_43 : i1 to i32
    %cond3A = arith.constant 0 : i32
    %cond3A_44 = arith.cmpi ne, %convert_element_type3A, %cond3A : i32
    scf.if %cond3A_44 {
      %mul3A_45 = arith.constant 5000 : i32
      %mul3A_46 = arith.muli %arg1, %mul3A_45 : i32
      "tpu.region"() ({
        %run_scoped3A = tpu.sem_alloc : memref<!tpu.dma_semaphore, #tpu.memory_space<semaphore_mem>>
        %dma_start3A_47 = arith.constant 0 : i32
        %dma_start3A_48 = arith.constant 0 : i32
        %dma_start3A_49 = tpu.memref_slice %arg5[%arg1, %arg0, %dma_start3A_47, %dma_start3A_48] : memref<2x2x5000x16xf32, #tpu.memory_space<hbm>> -> memref<1x1x5000x16xf32, #tpu.memory_space<hbm>>
        %dma_start3A_50 = tpu.memref_squeeze %dma_start3A_49 : memref<1x1x5000x16xf32, #tpu.memory_space<hbm>> -> memref<5000x16xf32, #tpu.memory_space<hbm>>
        %dma_start3A_51 = arith.constant 0 : i32
        %dma_start3A_52 = tpu.memref_slice %arg6[%mul3A_46, %dma_start3A_51] : memref<10000x16xf32, #tpu.memory_space<vmem_shared>> -> memref<5000x16xf32, #tpu.memory_space<vmem_shared>>
        tpu.enqueue_dma source(%dma_start3A_52 : memref<5000x16xf32, #tpu.memory_space<vmem_shared>>) target(%dma_start3A_50 : memref<5000x16xf32, #tpu.memory_space<hbm>>) target_semaphore(%run_scoped3A : memref<!tpu.dma_semaphore, #tpu.memory_space<semaphore_mem>>)
        %dma_wait3A = arith.constant 0 : i32
        %dma_wait3A_53 = arith.constant 0 : i32
        %dma_wait3A_54 = tpu.memref_slice %arg5[%arg1, %arg0, %dma_wait3A, %dma_wait3A_53] : memref<2x2x5000x16xf32, #tpu.memory_space<hbm>> -> memref<1x1x5000x16xf32, #tpu.memory_space<hbm>>
        %dma_wait3A_55 = tpu.memref_squeeze %dma_wait3A_54 : memref<1x1x5000x16xf32, #tpu.memory_space<hbm>> -> memref<5000x16xf32, #tpu.memory_space<hbm>>
        %dma_wait3A_56 = arith.constant 0 : i32
        %dma_wait3A_57 = tpu.memref_slice %arg6[%mul3A_46, %dma_wait3A_56] : memref<10000x16xf32, #tpu.memory_space<vmem_shared>> -> memref<5000x16xf32, #tpu.memory_space<vmem_shared>>
        tpu.wait_dma2 semaphore(%run_scoped3A : memref<!tpu.dma_semaphore, #tpu.memory_space<semaphore_mem>>) src(%dma_wait3A_57 : memref<5000x16xf32, #tpu.memory_space<vmem_shared>>) dst(%dma_wait3A_55 : memref<5000x16xf32, #tpu.memory_space<hbm>>)
        tpu.yield
      }) : () -> ()
    } else {
    }
    return
  }
}

#map = affine_map<(d0, d1) -> (0, 0)>
#map1 = affine_map<(d0, d1) -> (0, 0, 0)>
#map2 = affine_map<(d0, d1) -> (0, 0, 0, 0)>
module attributes {stable_mosaic.version = 14 : i64} {
  func.func @scatter_kernel(%arg0: i32, %arg1: i32, %arg2: memref<10000x32xf32, #tpu.memory_space<hbm>>, %arg3: memref<32x250x40xi32, #tpu.memory_space<hbm>>, %arg4: memref<32x250x40xi32, #tpu.memory_space<hbm>>, %arg5: memref<2x2x5000x32xf32, #tpu.memory_space<hbm>>, %arg6: memref<10000x32xf32, #tpu.memory_space<vmem_shared>>, %arg7: memref<10000x32xf32, #tpu.memory_space<vmem_shared>>, %arg8: memref<250x40xi32, #tpu.memory_space<vmem>>, %arg9: memref<250x40xi32, #tpu.memory_space<vmem>>, %arg10: memref<40x32xf32, #tpu.memory_space<vmem>>, %arg11: memref<40x32xf32, #tpu.memory_space<vmem>>, %arg12: memref<40x32xf32, #tpu.memory_space<vmem>>, %arg13: memref<40x32xf32, #tpu.memory_space<vmem>>, %arg14: memref<40x32xf32, #tpu.memory_space<vmem>>, %arg15: memref<!tpu.dma_semaphore, #tpu.memory_space<semaphore_mem>>, %arg16: memref<!tpu.dma_semaphore, #tpu.memory_space<semaphore_mem>>, %arg17: memref<!tpu.dma_semaphore, #tpu.memory_space<semaphore_mem>>, %arg18: memref<!tpu.dma_semaphore, #tpu.memory_space<semaphore_mem>>, %arg19: memref<!tpu.dma_semaphore, #tpu.memory_space<semaphore_mem>>, %arg20: memref<!tpu.dma_semaphore, #tpu.memory_space<semaphore_mem>>, %arg21: memref<!tpu.dma_semaphore, #tpu.memory_space<semaphore_mem>>, %arg22: memref<!tpu.dma_semaphore, #tpu.memory_space<semaphore_mem>>, %arg23: memref<!tpu.dma_semaphore, #tpu.memory_space<semaphore_mem>>, %arg24: memref<!tpu.dma_semaphore, #tpu.memory_space<semaphore_mem>>) attributes {dimension_semantics = [#tpu.dimension_semantics<core_parallel>, #tpu.dimension_semantics<subcore_parallel>], iteration_bounds = array<i64: 2, 16>, scalar_prefetch = 0 : i64, scratch_operands = 19 : i64, tpu.core_type = #tpu.core_type<sc_vector_subcore>, window_params = [{transform_indices = #map}, {transform_indices = #map1}, {transform_indices = #map1}, {transform_indices = #map2}]} {
    %mul3A = arith.constant 16 : i32
    %mul3A_0 = arith.muli %arg0, %mul3A : i32
    %add3A = arith.addi %mul3A_0, %arg1 : i32
    %mul3A_1 = arith.constant 625 : i32
    %mul3A_2 = arith.muli %arg1, %mul3A_1 : i32
    "tpu.region"() ({
      %run_scoped3A = tpu.sem_alloc : memref<!tpu.dma_semaphore, #tpu.memory_space<semaphore_mem>>
      %dma_start3A_45 = arith.constant 0 : i32
      %dma_start3A_46 = tpu.memref_slice %arg7[%mul3A_2, %dma_start3A_45] : memref<10000x32xf32, #tpu.memory_space<vmem_shared>> -> memref<625x32xf32, #tpu.memory_space<vmem_shared>>
      %dma_start3A_47 = arith.constant 0 : i32
      %dma_start3A_48 = tpu.memref_slice %arg2[%mul3A_2, %dma_start3A_47] : memref<10000x32xf32, #tpu.memory_space<hbm>> -> memref<625x32xf32, #tpu.memory_space<hbm>>
      tpu.enqueue_dma source(%dma_start3A_48 : memref<625x32xf32, #tpu.memory_space<hbm>>) target(%dma_start3A_46 : memref<625x32xf32, #tpu.memory_space<vmem_shared>>) target_semaphore(%run_scoped3A : memref<!tpu.dma_semaphore, #tpu.memory_space<semaphore_mem>>)
      %dma_wait3A = arith.constant 0 : i32
      %dma_wait3A_49 = tpu.memref_slice %arg7[%mul3A_2, %dma_wait3A] : memref<10000x32xf32, #tpu.memory_space<vmem_shared>> -> memref<625x32xf32, #tpu.memory_space<vmem_shared>>
      %dma_wait3A_50 = arith.constant 0 : i32
      %dma_wait3A_51 = tpu.memref_slice %arg2[%mul3A_2, %dma_wait3A_50] : memref<10000x32xf32, #tpu.memory_space<hbm>> -> memref<625x32xf32, #tpu.memory_space<hbm>>
      tpu.wait_dma2 semaphore(%run_scoped3A : memref<!tpu.dma_semaphore, #tpu.memory_space<semaphore_mem>>) src(%dma_wait3A_51 : memref<625x32xf32, #tpu.memory_space<hbm>>) dst(%dma_wait3A_49 : memref<625x32xf32, #tpu.memory_space<vmem_shared>>)
      tpu.yield
    }) : () -> ()
    "tpu.region"() ({
      %run_scoped3A = tpu.sem_alloc : memref<!tpu.dma_semaphore, #tpu.memory_space<semaphore_mem>>
      %dma_start3A_45 = arith.constant 0 : i32
      %dma_start3A_46 = tpu.memref_slice %arg6[%mul3A_2, %dma_start3A_45] : memref<10000x32xf32, #tpu.memory_space<vmem_shared>> -> memref<625x32xf32, #tpu.memory_space<vmem_shared>>
      %dma_start3A_47 = arith.constant 0 : i32
      %dma_start3A_48 = tpu.memref_slice %arg2[%mul3A_2, %dma_start3A_47] : memref<10000x32xf32, #tpu.memory_space<hbm>> -> memref<625x32xf32, #tpu.memory_space<hbm>>
      tpu.enqueue_dma source(%dma_start3A_48 : memref<625x32xf32, #tpu.memory_space<hbm>>) target(%dma_start3A_46 : memref<625x32xf32, #tpu.memory_space<vmem_shared>>) target_semaphore(%run_scoped3A : memref<!tpu.dma_semaphore, #tpu.memory_space<semaphore_mem>>)
      %dma_wait3A = arith.constant 0 : i32
      %dma_wait3A_49 = tpu.memref_slice %arg6[%mul3A_2, %dma_wait3A] : memref<10000x32xf32, #tpu.memory_space<vmem_shared>> -> memref<625x32xf32, #tpu.memory_space<vmem_shared>>
      %dma_wait3A_50 = arith.constant 0 : i32
      %dma_wait3A_51 = tpu.memref_slice %arg2[%mul3A_2, %dma_wait3A_50] : memref<10000x32xf32, #tpu.memory_space<hbm>> -> memref<625x32xf32, #tpu.memory_space<hbm>>
      tpu.wait_dma2 semaphore(%run_scoped3A : memref<!tpu.dma_semaphore, #tpu.memory_space<semaphore_mem>>) src(%dma_wait3A_51 : memref<625x32xf32, #tpu.memory_space<hbm>>) dst(%dma_wait3A_49 : memref<625x32xf32, #tpu.memory_space<vmem_shared>>)
      tpu.yield
    }) : () -> ()
    "tpu.region"() ({
      %run_scoped3A = tpu.sem_alloc : memref<!tpu.dma_semaphore, #tpu.memory_space<semaphore_mem>>
      %dma_start3A_45 = arith.constant 0 : i32
      %dma_start3A_46 = arith.constant 0 : i32
      %dma_start3A_47 = tpu.memref_slice %arg3[%add3A, %dma_start3A_45, %dma_start3A_46] : memref<32x250x40xi32, #tpu.memory_space<hbm>> -> memref<1x250x40xi32, #tpu.memory_space<hbm>>
      %dma_start3A_48 = tpu.memref_squeeze %dma_start3A_47 : memref<1x250x40xi32, #tpu.memory_space<hbm>> -> memref<250x40xi32, #tpu.memory_space<hbm>>
      %dma_start3A_49 = arith.constant 0 : i32
      %dma_start3A_50 = arith.constant 0 : i32
      %dma_start3A_51 = tpu.memref_slice %arg3[%add3A, %dma_start3A_49, %dma_start3A_50] : memref<32x250x40xi32, #tpu.memory_space<hbm>> -> memref<1x250x40xi32, #tpu.memory_space<hbm>>
      %dma_start3A_52 = tpu.memref_squeeze %dma_start3A_51 : memref<1x250x40xi32, #tpu.memory_space<hbm>> -> memref<250x40xi32, #tpu.memory_space<hbm>>
      tpu.enqueue_dma source(%dma_start3A_52 : memref<250x40xi32, #tpu.memory_space<hbm>>) target(%arg8 : memref<250x40xi32, #tpu.memory_space<vmem>>) target_semaphore(%run_scoped3A : memref<!tpu.dma_semaphore, #tpu.memory_space<semaphore_mem>>)
      %dma_wait3A = arith.constant 0 : i32
      %dma_wait3A_53 = arith.constant 0 : i32
      %dma_wait3A_54 = tpu.memref_slice %arg3[%add3A, %dma_wait3A, %dma_wait3A_53] : memref<32x250x40xi32, #tpu.memory_space<hbm>> -> memref<1x250x40xi32, #tpu.memory_space<hbm>>
      %dma_wait3A_55 = tpu.memref_squeeze %dma_wait3A_54 : memref<1x250x40xi32, #tpu.memory_space<hbm>> -> memref<250x40xi32, #tpu.memory_space<hbm>>
      %dma_wait3A_56 = arith.constant 0 : i32
      %dma_wait3A_57 = arith.constant 0 : i32
      %dma_wait3A_58 = tpu.memref_slice %arg3[%add3A, %dma_wait3A_56, %dma_wait3A_57] : memref<32x250x40xi32, #tpu.memory_space<hbm>> -> memref<1x250x40xi32, #tpu.memory_space<hbm>>
      %dma_wait3A_59 = tpu.memref_squeeze %dma_wait3A_58 : memref<1x250x40xi32, #tpu.memory_space<hbm>> -> memref<250x40xi32, #tpu.memory_space<hbm>>
      tpu.wait_dma2 semaphore(%run_scoped3A : memref<!tpu.dma_semaphore, #tpu.memory_space<semaphore_mem>>) src(%dma_wait3A_59 : memref<250x40xi32, #tpu.memory_space<hbm>>) dst(%arg8 : memref<250x40xi32, #tpu.memory_space<vmem>>)
      tpu.yield
    }) : () -> ()
    "tpu.region"() ({
      %run_scoped3A = tpu.sem_alloc : memref<!tpu.dma_semaphore, #tpu.memory_space<semaphore_mem>>
      %dma_start3A_45 = arith.constant 0 : i32
      %dma_start3A_46 = arith.constant 0 : i32
      %dma_start3A_47 = tpu.memref_slice %arg4[%add3A, %dma_start3A_45, %dma_start3A_46] : memref<32x250x40xi32, #tpu.memory_space<hbm>> -> memref<1x250x40xi32, #tpu.memory_space<hbm>>
      %dma_start3A_48 = tpu.memref_squeeze %dma_start3A_47 : memref<1x250x40xi32, #tpu.memory_space<hbm>> -> memref<250x40xi32, #tpu.memory_space<hbm>>
      %dma_start3A_49 = arith.constant 0 : i32
      %dma_start3A_50 = arith.constant 0 : i32
      %dma_start3A_51 = tpu.memref_slice %arg4[%add3A, %dma_start3A_49, %dma_start3A_50] : memref<32x250x40xi32, #tpu.memory_space<hbm>> -> memref<1x250x40xi32, #tpu.memory_space<hbm>>
      %dma_start3A_52 = tpu.memref_squeeze %dma_start3A_51 : memref<1x250x40xi32, #tpu.memory_space<hbm>> -> memref<250x40xi32, #tpu.memory_space<hbm>>
      tpu.enqueue_dma source(%dma_start3A_52 : memref<250x40xi32, #tpu.memory_space<hbm>>) target(%arg9 : memref<250x40xi32, #tpu.memory_space<vmem>>) target_semaphore(%run_scoped3A : memref<!tpu.dma_semaphore, #tpu.memory_space<semaphore_mem>>)
      %dma_wait3A = arith.constant 0 : i32
      %dma_wait3A_53 = arith.constant 0 : i32
      %dma_wait3A_54 = tpu.memref_slice %arg4[%add3A, %dma_wait3A, %dma_wait3A_53] : memref<32x250x40xi32, #tpu.memory_space<hbm>> -> memref<1x250x40xi32, #tpu.memory_space<hbm>>
      %dma_wait3A_55 = tpu.memref_squeeze %dma_wait3A_54 : memref<1x250x40xi32, #tpu.memory_space<hbm>> -> memref<250x40xi32, #tpu.memory_space<hbm>>
      %dma_wait3A_56 = arith.constant 0 : i32
      %dma_wait3A_57 = arith.constant 0 : i32
      %dma_wait3A_58 = tpu.memref_slice %arg4[%add3A, %dma_wait3A_56, %dma_wait3A_57] : memref<32x250x40xi32, #tpu.memory_space<hbm>> -> memref<1x250x40xi32, #tpu.memory_space<hbm>>
      %dma_wait3A_59 = tpu.memref_squeeze %dma_wait3A_58 : memref<1x250x40xi32, #tpu.memory_space<hbm>> -> memref<250x40xi32, #tpu.memory_space<hbm>>
      tpu.wait_dma2 semaphore(%run_scoped3A : memref<!tpu.dma_semaphore, #tpu.memory_space<semaphore_mem>>) src(%dma_wait3A_59 : memref<250x40xi32, #tpu.memory_space<hbm>>) dst(%arg9 : memref<250x40xi32, #tpu.memory_space<vmem>>)
      tpu.yield
    }) : () -> ()
    %barrier3A = arith.constant 0 : index
    tpu.barrier barrier_id(%barrier3A)
    %dma_start3A = arith.constant 0 : i32
    %dma_start3A_3 = arith.constant 0 : i32
    %dma_start3A_4 = tpu.memref_slice %arg8[%dma_start3A, %dma_start3A_3] : memref<250x40xi32, #tpu.memory_space<vmem>> -> memref<1x40xi32, #tpu.memory_space<vmem>>
    %dma_start3A_5 = tpu.memref_squeeze %dma_start3A_4 : memref<1x40xi32, #tpu.memory_space<vmem>> -> memref<40xi32, #tpu.memory_space<vmem>>
    %dma_start3A_6 = arith.constant 0 : i32
    %dma_start3A_7 = arith.constant 0 : i32
    %dma_start3A_8 = tpu.memref_slice %arg7[%dma_start3A_6, %dma_start3A_7] : memref<10000x32xf32, #tpu.memory_space<vmem_shared>> -> memref<10000x32xf32, #tpu.memory_space<vmem_shared>>
    tpu.enqueue_indirect_dma source(%dma_start3A_8 : memref<10000x32xf32, #tpu.memory_space<vmem_shared>>) target(%arg10 : memref<40x32xf32, #tpu.memory_space<vmem>>) offsets(%dma_start3A_5 : memref<40xi32, #tpu.memory_space<vmem>>) semaphore(%arg15 : memref<!tpu.dma_semaphore, #tpu.memory_space<semaphore_mem>>)
    %dma_start3A_9 = arith.constant 1 : i32
    %dma_start3A_10 = arith.constant 0 : i32
    %dma_start3A_11 = tpu.memref_slice %arg8[%dma_start3A_9, %dma_start3A_10] : memref<250x40xi32, #tpu.memory_space<vmem>> -> memref<1x40xi32, #tpu.memory_space<vmem>>
    %dma_start3A_12 = tpu.memref_squeeze %dma_start3A_11 : memref<1x40xi32, #tpu.memory_space<vmem>> -> memref<40xi32, #tpu.memory_space<vmem>>
    %dma_start3A_13 = arith.constant 0 : i32
    %dma_start3A_14 = arith.constant 0 : i32
    %dma_start3A_15 = tpu.memref_slice %arg7[%dma_start3A_13, %dma_start3A_14] : memref<10000x32xf32, #tpu.memory_space<vmem_shared>> -> memref<10000x32xf32, #tpu.memory_space<vmem_shared>>
    tpu.enqueue_indirect_dma source(%dma_start3A_15 : memref<10000x32xf32, #tpu.memory_space<vmem_shared>>) target(%arg11 : memref<40x32xf32, #tpu.memory_space<vmem>>) offsets(%dma_start3A_12 : memref<40xi32, #tpu.memory_space<vmem>>) semaphore(%arg16 : memref<!tpu.dma_semaphore, #tpu.memory_space<semaphore_mem>>)
    %dma_start3A_16 = arith.constant 2 : i32
    %dma_start3A_17 = arith.constant 0 : i32
    %dma_start3A_18 = tpu.memref_slice %arg8[%dma_start3A_16, %dma_start3A_17] : memref<250x40xi32, #tpu.memory_space<vmem>> -> memref<1x40xi32, #tpu.memory_space<vmem>>
    %dma_start3A_19 = tpu.memref_squeeze %dma_start3A_18 : memref<1x40xi32, #tpu.memory_space<vmem>> -> memref<40xi32, #tpu.memory_space<vmem>>
    %dma_start3A_20 = arith.constant 0 : i32
    %dma_start3A_21 = arith.constant 0 : i32
    %dma_start3A_22 = tpu.memref_slice %arg7[%dma_start3A_20, %dma_start3A_21] : memref<10000x32xf32, #tpu.memory_space<vmem_shared>> -> memref<10000x32xf32, #tpu.memory_space<vmem_shared>>
    tpu.enqueue_indirect_dma source(%dma_start3A_22 : memref<10000x32xf32, #tpu.memory_space<vmem_shared>>) target(%arg12 : memref<40x32xf32, #tpu.memory_space<vmem>>) offsets(%dma_start3A_19 : memref<40xi32, #tpu.memory_space<vmem>>) semaphore(%arg17 : memref<!tpu.dma_semaphore, #tpu.memory_space<semaphore_mem>>)
    %dma_start3A_23 = arith.constant 3 : i32
    %dma_start3A_24 = arith.constant 0 : i32
    %dma_start3A_25 = tpu.memref_slice %arg8[%dma_start3A_23, %dma_start3A_24] : memref<250x40xi32, #tpu.memory_space<vmem>> -> memref<1x40xi32, #tpu.memory_space<vmem>>
    %dma_start3A_26 = tpu.memref_squeeze %dma_start3A_25 : memref<1x40xi32, #tpu.memory_space<vmem>> -> memref<40xi32, #tpu.memory_space<vmem>>
    %dma_start3A_27 = arith.constant 0 : i32
    %dma_start3A_28 = arith.constant 0 : i32
    %dma_start3A_29 = tpu.memref_slice %arg7[%dma_start3A_27, %dma_start3A_28] : memref<10000x32xf32, #tpu.memory_space<vmem_shared>> -> memref<10000x32xf32, #tpu.memory_space<vmem_shared>>
    tpu.enqueue_indirect_dma source(%dma_start3A_29 : memref<10000x32xf32, #tpu.memory_space<vmem_shared>>) target(%arg13 : memref<40x32xf32, #tpu.memory_space<vmem>>) offsets(%dma_start3A_26 : memref<40xi32, #tpu.memory_space<vmem>>) semaphore(%arg18 : memref<!tpu.dma_semaphore, #tpu.memory_space<semaphore_mem>>)
    %dma_start3A_30 = arith.constant 4 : i32
    %dma_start3A_31 = arith.constant 0 : i32
    %dma_start3A_32 = tpu.memref_slice %arg8[%dma_start3A_30, %dma_start3A_31] : memref<250x40xi32, #tpu.memory_space<vmem>> -> memref<1x40xi32, #tpu.memory_space<vmem>>
    %dma_start3A_33 = tpu.memref_squeeze %dma_start3A_32 : memref<1x40xi32, #tpu.memory_space<vmem>> -> memref<40xi32, #tpu.memory_space<vmem>>
    %dma_start3A_34 = arith.constant 0 : i32
    %dma_start3A_35 = arith.constant 0 : i32
    %dma_start3A_36 = tpu.memref_slice %arg7[%dma_start3A_34, %dma_start3A_35] : memref<10000x32xf32, #tpu.memory_space<vmem_shared>> -> memref<10000x32xf32, #tpu.memory_space<vmem_shared>>
    tpu.enqueue_indirect_dma source(%dma_start3A_36 : memref<10000x32xf32, #tpu.memory_space<vmem_shared>>) target(%arg14 : memref<40x32xf32, #tpu.memory_space<vmem>>) offsets(%dma_start3A_33 : memref<40xi32, #tpu.memory_space<vmem>>) semaphore(%arg19 : memref<!tpu.dma_semaphore, #tpu.memory_space<semaphore_mem>>)
    %scan3A = arith.constant 0 : i32
    %scan3A_37 = arith.constant 0 : i32
    %scan3A_38 = arith.constant 50 : i32
    %scan3A_39 = arith.addi %scan3A_37, %scan3A_38 : i32
    %scan3A_40 = arith.constant 1 : i32
    scf.for %scan3A_45 = %scan3A_37 to %scan3A_39 step %scan3A_40  : i32 {
      %mul3A_46 = arith.constant 5 : i32
      %mul3A_47 = arith.muli %scan3A_45, %mul3A_46 : i32
      %dma_wait3A = arith.constant 0 : i32
      %dma_wait3A_48 = arith.constant 0 : i32
      %dma_wait3A_49 = tpu.memref_slice %arg8[%dma_wait3A, %dma_wait3A_48] : memref<250x40xi32, #tpu.memory_space<vmem>> -> memref<1x40xi32, #tpu.memory_space<vmem>>
      %dma_wait3A_50 = tpu.memref_squeeze %dma_wait3A_49 : memref<1x40xi32, #tpu.memory_space<vmem>> -> memref<40xi32, #tpu.memory_space<vmem>>
      %dma_wait3A_51 = arith.constant 0 : i32
      %dma_wait3A_52 = arith.constant 0 : i32
      %dma_wait3A_53 = tpu.memref_slice %arg7[%dma_wait3A_51, %dma_wait3A_52] : memref<10000x32xf32, #tpu.memory_space<vmem_shared>> -> memref<10000x32xf32, #tpu.memory_space<vmem_shared>>
      tpu.wait_indirect_dma semaphore(%arg15 : memref<!tpu.dma_semaphore, #tpu.memory_space<semaphore_mem>>) src(%dma_wait3A_53 : memref<10000x32xf32, #tpu.memory_space<vmem_shared>>) dst(%arg10 : memref<40x32xf32, #tpu.memory_space<vmem>>)
      %add3A_54 = arith.constant 0 : i32
      %add3A_55 = arith.addi %mul3A_47, %add3A_54 : i32
      %dma_start3A_56 = arith.constant 0 : i32
      %dma_start3A_57 = tpu.memref_slice %arg9[%add3A_55, %dma_start3A_56] : memref<250x40xi32, #tpu.memory_space<vmem>> -> memref<1x40xi32, #tpu.memory_space<vmem>>
      %dma_start3A_58 = tpu.memref_squeeze %dma_start3A_57 : memref<1x40xi32, #tpu.memory_space<vmem>> -> memref<40xi32, #tpu.memory_space<vmem>>
      %dma_start3A_59 = arith.constant 0 : i32
      %dma_start3A_60 = arith.constant 0 : i32
      %dma_start3A_61 = tpu.memref_slice %arg6[%dma_start3A_59, %dma_start3A_60] : memref<10000x32xf32, #tpu.memory_space<vmem_shared>> -> memref<10000x32xf32, #tpu.memory_space<vmem_shared>>
      tpu.enqueue_indirect_dma source(%arg10 : memref<40x32xf32, #tpu.memory_space<vmem>>) target(%dma_start3A_61 : memref<10000x32xf32, #tpu.memory_space<vmem_shared>>) offsets(%dma_start3A_58 : memref<40xi32, #tpu.memory_space<vmem>>) semaphore(%arg20 : memref<!tpu.dma_semaphore, #tpu.memory_space<semaphore_mem>>) {add = true}
      %dma_wait3A_62 = arith.constant 0 : i32
      %dma_wait3A_63 = arith.constant 0 : i32
      %dma_wait3A_64 = tpu.memref_slice %arg8[%dma_wait3A_62, %dma_wait3A_63] : memref<250x40xi32, #tpu.memory_space<vmem>> -> memref<1x40xi32, #tpu.memory_space<vmem>>
      %dma_wait3A_65 = tpu.memref_squeeze %dma_wait3A_64 : memref<1x40xi32, #tpu.memory_space<vmem>> -> memref<40xi32, #tpu.memory_space<vmem>>
      %dma_wait3A_66 = arith.constant 0 : i32
      %dma_wait3A_67 = arith.constant 0 : i32
      %dma_wait3A_68 = tpu.memref_slice %arg7[%dma_wait3A_66, %dma_wait3A_67] : memref<10000x32xf32, #tpu.memory_space<vmem_shared>> -> memref<10000x32xf32, #tpu.memory_space<vmem_shared>>
      tpu.wait_indirect_dma semaphore(%arg16 : memref<!tpu.dma_semaphore, #tpu.memory_space<semaphore_mem>>) src(%dma_wait3A_68 : memref<10000x32xf32, #tpu.memory_space<vmem_shared>>) dst(%arg11 : memref<40x32xf32, #tpu.memory_space<vmem>>)
      %add3A_69 = arith.constant 1 : i32
      %add3A_70 = arith.addi %mul3A_47, %add3A_69 : i32
      %dma_start3A_71 = arith.constant 0 : i32
      %dma_start3A_72 = tpu.memref_slice %arg9[%add3A_70, %dma_start3A_71] : memref<250x40xi32, #tpu.memory_space<vmem>> -> memref<1x40xi32, #tpu.memory_space<vmem>>
      %dma_start3A_73 = tpu.memref_squeeze %dma_start3A_72 : memref<1x40xi32, #tpu.memory_space<vmem>> -> memref<40xi32, #tpu.memory_space<vmem>>
      %dma_start3A_74 = arith.constant 0 : i32
      %dma_start3A_75 = arith.constant 0 : i32
      %dma_start3A_76 = tpu.memref_slice %arg6[%dma_start3A_74, %dma_start3A_75] : memref<10000x32xf32, #tpu.memory_space<vmem_shared>> -> memref<10000x32xf32, #tpu.memory_space<vmem_shared>>
      tpu.enqueue_indirect_dma source(%arg11 : memref<40x32xf32, #tpu.memory_space<vmem>>) target(%dma_start3A_76 : memref<10000x32xf32, #tpu.memory_space<vmem_shared>>) offsets(%dma_start3A_73 : memref<40xi32, #tpu.memory_space<vmem>>) semaphore(%arg21 : memref<!tpu.dma_semaphore, #tpu.memory_space<semaphore_mem>>) {add = true}
      %dma_wait3A_77 = arith.constant 0 : i32
      %dma_wait3A_78 = arith.constant 0 : i32
      %dma_wait3A_79 = tpu.memref_slice %arg8[%dma_wait3A_77, %dma_wait3A_78] : memref<250x40xi32, #tpu.memory_space<vmem>> -> memref<1x40xi32, #tpu.memory_space<vmem>>
      %dma_wait3A_80 = tpu.memref_squeeze %dma_wait3A_79 : memref<1x40xi32, #tpu.memory_space<vmem>> -> memref<40xi32, #tpu.memory_space<vmem>>
      %dma_wait3A_81 = arith.constant 0 : i32
      %dma_wait3A_82 = arith.constant 0 : i32
      %dma_wait3A_83 = tpu.memref_slice %arg7[%dma_wait3A_81, %dma_wait3A_82] : memref<10000x32xf32, #tpu.memory_space<vmem_shared>> -> memref<10000x32xf32, #tpu.memory_space<vmem_shared>>
      tpu.wait_indirect_dma semaphore(%arg17 : memref<!tpu.dma_semaphore, #tpu.memory_space<semaphore_mem>>) src(%dma_wait3A_83 : memref<10000x32xf32, #tpu.memory_space<vmem_shared>>) dst(%arg12 : memref<40x32xf32, #tpu.memory_space<vmem>>)
      %add3A_84 = arith.constant 2 : i32
      %add3A_85 = arith.addi %mul3A_47, %add3A_84 : i32
      %dma_start3A_86 = arith.constant 0 : i32
      %dma_start3A_87 = tpu.memref_slice %arg9[%add3A_85, %dma_start3A_86] : memref<250x40xi32, #tpu.memory_space<vmem>> -> memref<1x40xi32, #tpu.memory_space<vmem>>
      %dma_start3A_88 = tpu.memref_squeeze %dma_start3A_87 : memref<1x40xi32, #tpu.memory_space<vmem>> -> memref<40xi32, #tpu.memory_space<vmem>>
      %dma_start3A_89 = arith.constant 0 : i32
      %dma_start3A_90 = arith.constant 0 : i32
      %dma_start3A_91 = tpu.memref_slice %arg6[%dma_start3A_89, %dma_start3A_90] : memref<10000x32xf32, #tpu.memory_space<vmem_shared>> -> memref<10000x32xf32, #tpu.memory_space<vmem_shared>>
      tpu.enqueue_indirect_dma source(%arg12 : memref<40x32xf32, #tpu.memory_space<vmem>>) target(%dma_start3A_91 : memref<10000x32xf32, #tpu.memory_space<vmem_shared>>) offsets(%dma_start3A_88 : memref<40xi32, #tpu.memory_space<vmem>>) semaphore(%arg22 : memref<!tpu.dma_semaphore, #tpu.memory_space<semaphore_mem>>) {add = true}
      %dma_wait3A_92 = arith.constant 0 : i32
      %dma_wait3A_93 = arith.constant 0 : i32
      %dma_wait3A_94 = tpu.memref_slice %arg8[%dma_wait3A_92, %dma_wait3A_93] : memref<250x40xi32, #tpu.memory_space<vmem>> -> memref<1x40xi32, #tpu.memory_space<vmem>>
      %dma_wait3A_95 = tpu.memref_squeeze %dma_wait3A_94 : memref<1x40xi32, #tpu.memory_space<vmem>> -> memref<40xi32, #tpu.memory_space<vmem>>
      %dma_wait3A_96 = arith.constant 0 : i32
      %dma_wait3A_97 = arith.constant 0 : i32
      %dma_wait3A_98 = tpu.memref_slice %arg7[%dma_wait3A_96, %dma_wait3A_97] : memref<10000x32xf32, #tpu.memory_space<vmem_shared>> -> memref<10000x32xf32, #tpu.memory_space<vmem_shared>>
      tpu.wait_indirect_dma semaphore(%arg18 : memref<!tpu.dma_semaphore, #tpu.memory_space<semaphore_mem>>) src(%dma_wait3A_98 : memref<10000x32xf32, #tpu.memory_space<vmem_shared>>) dst(%arg13 : memref<40x32xf32, #tpu.memory_space<vmem>>)
      %add3A_99 = arith.constant 3 : i32
      %add3A_100 = arith.addi %mul3A_47, %add3A_99 : i32
      %dma_start3A_101 = arith.constant 0 : i32
      %dma_start3A_102 = tpu.memref_slice %arg9[%add3A_100, %dma_start3A_101] : memref<250x40xi32, #tpu.memory_space<vmem>> -> memref<1x40xi32, #tpu.memory_space<vmem>>
      %dma_start3A_103 = tpu.memref_squeeze %dma_start3A_102 : memref<1x40xi32, #tpu.memory_space<vmem>> -> memref<40xi32, #tpu.memory_space<vmem>>
      %dma_start3A_104 = arith.constant 0 : i32
      %dma_start3A_105 = arith.constant 0 : i32
      %dma_start3A_106 = tpu.memref_slice %arg6[%dma_start3A_104, %dma_start3A_105] : memref<10000x32xf32, #tpu.memory_space<vmem_shared>> -> memref<10000x32xf32, #tpu.memory_space<vmem_shared>>
      tpu.enqueue_indirect_dma source(%arg13 : memref<40x32xf32, #tpu.memory_space<vmem>>) target(%dma_start3A_106 : memref<10000x32xf32, #tpu.memory_space<vmem_shared>>) offsets(%dma_start3A_103 : memref<40xi32, #tpu.memory_space<vmem>>) semaphore(%arg23 : memref<!tpu.dma_semaphore, #tpu.memory_space<semaphore_mem>>) {add = true}
      %dma_wait3A_107 = arith.constant 0 : i32
      %dma_wait3A_108 = arith.constant 0 : i32
      %dma_wait3A_109 = tpu.memref_slice %arg8[%dma_wait3A_107, %dma_wait3A_108] : memref<250x40xi32, #tpu.memory_space<vmem>> -> memref<1x40xi32, #tpu.memory_space<vmem>>
      %dma_wait3A_110 = tpu.memref_squeeze %dma_wait3A_109 : memref<1x40xi32, #tpu.memory_space<vmem>> -> memref<40xi32, #tpu.memory_space<vmem>>
      %dma_wait3A_111 = arith.constant 0 : i32
      %dma_wait3A_112 = arith.constant 0 : i32
      %dma_wait3A_113 = tpu.memref_slice %arg7[%dma_wait3A_111, %dma_wait3A_112] : memref<10000x32xf32, #tpu.memory_space<vmem_shared>> -> memref<10000x32xf32, #tpu.memory_space<vmem_shared>>
      tpu.wait_indirect_dma semaphore(%arg19 : memref<!tpu.dma_semaphore, #tpu.memory_space<semaphore_mem>>) src(%dma_wait3A_113 : memref<10000x32xf32, #tpu.memory_space<vmem_shared>>) dst(%arg14 : memref<40x32xf32, #tpu.memory_space<vmem>>)
      %add3A_114 = arith.constant 4 : i32
      %add3A_115 = arith.addi %mul3A_47, %add3A_114 : i32
      %dma_start3A_116 = arith.constant 0 : i32
      %dma_start3A_117 = tpu.memref_slice %arg9[%add3A_115, %dma_start3A_116] : memref<250x40xi32, #tpu.memory_space<vmem>> -> memref<1x40xi32, #tpu.memory_space<vmem>>
      %dma_start3A_118 = tpu.memref_squeeze %dma_start3A_117 : memref<1x40xi32, #tpu.memory_space<vmem>> -> memref<40xi32, #tpu.memory_space<vmem>>
      %dma_start3A_119 = arith.constant 0 : i32
      %dma_start3A_120 = arith.constant 0 : i32
      %dma_start3A_121 = tpu.memref_slice %arg6[%dma_start3A_119, %dma_start3A_120] : memref<10000x32xf32, #tpu.memory_space<vmem_shared>> -> memref<10000x32xf32, #tpu.memory_space<vmem_shared>>
      tpu.enqueue_indirect_dma source(%arg14 : memref<40x32xf32, #tpu.memory_space<vmem>>) target(%dma_start3A_121 : memref<10000x32xf32, #tpu.memory_space<vmem_shared>>) offsets(%dma_start3A_118 : memref<40xi32, #tpu.memory_space<vmem>>) semaphore(%arg24 : memref<!tpu.dma_semaphore, #tpu.memory_space<semaphore_mem>>) {add = true}
      %dma_wait3A_122 = arith.constant 0 : i32
      %dma_wait3A_123 = arith.constant 0 : i32
      %dma_wait3A_124 = tpu.memref_slice %arg9[%dma_wait3A_122, %dma_wait3A_123] : memref<250x40xi32, #tpu.memory_space<vmem>> -> memref<1x40xi32, #tpu.memory_space<vmem>>
      %dma_wait3A_125 = tpu.memref_squeeze %dma_wait3A_124 : memref<1x40xi32, #tpu.memory_space<vmem>> -> memref<40xi32, #tpu.memory_space<vmem>>
      %dma_wait3A_126 = arith.constant 0 : i32
      %dma_wait3A_127 = arith.constant 0 : i32
      %dma_wait3A_128 = tpu.memref_slice %arg6[%dma_wait3A_126, %dma_wait3A_127] : memref<10000x32xf32, #tpu.memory_space<vmem_shared>> -> memref<10000x32xf32, #tpu.memory_space<vmem_shared>>
      tpu.wait_indirect_dma semaphore(%arg20 : memref<!tpu.dma_semaphore, #tpu.memory_space<semaphore_mem>>) src(%arg10 : memref<40x32xf32, #tpu.memory_space<vmem>>) dst(%dma_wait3A_128 : memref<10000x32xf32, #tpu.memory_space<vmem_shared>>)
      %add3A_129 = arith.constant 5 : i32
      %add3A_130 = arith.addi %mul3A_47, %add3A_129 : i32
      %add3A_131 = arith.constant 0 : i32
      %add3A_132 = arith.addi %add3A_130, %add3A_131 : i32
      %lt3A_133 = arith.constant 250 : i32
      %lt3A_134 = arith.cmpi slt, %add3A_132, %lt3A_133 : i32
      %convert_element_type3A_135 = arith.extui %lt3A_134 : i1 to i32
      %cond3A_136 = arith.constant 0 : i32
      %cond3A_137 = arith.cmpi ne, %convert_element_type3A_135, %cond3A_136 : i32
      scf.if %cond3A_137 {
        %dma_start3A_202 = arith.constant 0 : i32
        %dma_start3A_203 = tpu.memref_slice %arg8[%add3A_132, %dma_start3A_202] : memref<250x40xi32, #tpu.memory_space<vmem>> -> memref<1x40xi32, #tpu.memory_space<vmem>>
        %dma_start3A_204 = tpu.memref_squeeze %dma_start3A_203 : memref<1x40xi32, #tpu.memory_space<vmem>> -> memref<40xi32, #tpu.memory_space<vmem>>
        %dma_start3A_205 = arith.constant 0 : i32
        %dma_start3A_206 = arith.constant 0 : i32
        %dma_start3A_207 = tpu.memref_slice %arg7[%dma_start3A_205, %dma_start3A_206] : memref<10000x32xf32, #tpu.memory_space<vmem_shared>> -> memref<10000x32xf32, #tpu.memory_space<vmem_shared>>
        tpu.enqueue_indirect_dma source(%dma_start3A_207 : memref<10000x32xf32, #tpu.memory_space<vmem_shared>>) target(%arg10 : memref<40x32xf32, #tpu.memory_space<vmem>>) offsets(%dma_start3A_204 : memref<40xi32, #tpu.memory_space<vmem>>) semaphore(%arg15 : memref<!tpu.dma_semaphore, #tpu.memory_space<semaphore_mem>>)
      } else {
      }
      %dma_wait3A_138 = arith.constant 0 : i32
      %dma_wait3A_139 = arith.constant 0 : i32
      %dma_wait3A_140 = tpu.memref_slice %arg9[%dma_wait3A_138, %dma_wait3A_139] : memref<250x40xi32, #tpu.memory_space<vmem>> -> memref<1x40xi32, #tpu.memory_space<vmem>>
      %dma_wait3A_141 = tpu.memref_squeeze %dma_wait3A_140 : memref<1x40xi32, #tpu.memory_space<vmem>> -> memref<40xi32, #tpu.memory_space<vmem>>
      %dma_wait3A_142 = arith.constant 0 : i32
      %dma_wait3A_143 = arith.constant 0 : i32
      %dma_wait3A_144 = tpu.memref_slice %arg6[%dma_wait3A_142, %dma_wait3A_143] : memref<10000x32xf32, #tpu.memory_space<vmem_shared>> -> memref<10000x32xf32, #tpu.memory_space<vmem_shared>>
      tpu.wait_indirect_dma semaphore(%arg21 : memref<!tpu.dma_semaphore, #tpu.memory_space<semaphore_mem>>) src(%arg11 : memref<40x32xf32, #tpu.memory_space<vmem>>) dst(%dma_wait3A_144 : memref<10000x32xf32, #tpu.memory_space<vmem_shared>>)
      %add3A_145 = arith.constant 5 : i32
      %add3A_146 = arith.addi %mul3A_47, %add3A_145 : i32
      %add3A_147 = arith.constant 1 : i32
      %add3A_148 = arith.addi %add3A_146, %add3A_147 : i32
      %lt3A_149 = arith.constant 250 : i32
      %lt3A_150 = arith.cmpi slt, %add3A_148, %lt3A_149 : i32
      %convert_element_type3A_151 = arith.extui %lt3A_150 : i1 to i32
      %cond3A_152 = arith.constant 0 : i32
      %cond3A_153 = arith.cmpi ne, %convert_element_type3A_151, %cond3A_152 : i32
      scf.if %cond3A_153 {
        %dma_start3A_202 = arith.constant 0 : i32
        %dma_start3A_203 = tpu.memref_slice %arg8[%add3A_148, %dma_start3A_202] : memref<250x40xi32, #tpu.memory_space<vmem>> -> memref<1x40xi32, #tpu.memory_space<vmem>>
        %dma_start3A_204 = tpu.memref_squeeze %dma_start3A_203 : memref<1x40xi32, #tpu.memory_space<vmem>> -> memref<40xi32, #tpu.memory_space<vmem>>
        %dma_start3A_205 = arith.constant 0 : i32
        %dma_start3A_206 = arith.constant 0 : i32
        %dma_start3A_207 = tpu.memref_slice %arg7[%dma_start3A_205, %dma_start3A_206] : memref<10000x32xf32, #tpu.memory_space<vmem_shared>> -> memref<10000x32xf32, #tpu.memory_space<vmem_shared>>
        tpu.enqueue_indirect_dma source(%dma_start3A_207 : memref<10000x32xf32, #tpu.memory_space<vmem_shared>>) target(%arg11 : memref<40x32xf32, #tpu.memory_space<vmem>>) offsets(%dma_start3A_204 : memref<40xi32, #tpu.memory_space<vmem>>) semaphore(%arg16 : memref<!tpu.dma_semaphore, #tpu.memory_space<semaphore_mem>>)
      } else {
      }
      %dma_wait3A_154 = arith.constant 0 : i32
      %dma_wait3A_155 = arith.constant 0 : i32
      %dma_wait3A_156 = tpu.memref_slice %arg9[%dma_wait3A_154, %dma_wait3A_155] : memref<250x40xi32, #tpu.memory_space<vmem>> -> memref<1x40xi32, #tpu.memory_space<vmem>>
      %dma_wait3A_157 = tpu.memref_squeeze %dma_wait3A_156 : memref<1x40xi32, #tpu.memory_space<vmem>> -> memref<40xi32, #tpu.memory_space<vmem>>
      %dma_wait3A_158 = arith.constant 0 : i32
      %dma_wait3A_159 = arith.constant 0 : i32
      %dma_wait3A_160 = tpu.memref_slice %arg6[%dma_wait3A_158, %dma_wait3A_159] : memref<10000x32xf32, #tpu.memory_space<vmem_shared>> -> memref<10000x32xf32, #tpu.memory_space<vmem_shared>>
      tpu.wait_indirect_dma semaphore(%arg22 : memref<!tpu.dma_semaphore, #tpu.memory_space<semaphore_mem>>) src(%arg12 : memref<40x32xf32, #tpu.memory_space<vmem>>) dst(%dma_wait3A_160 : memref<10000x32xf32, #tpu.memory_space<vmem_shared>>)
      %add3A_161 = arith.constant 5 : i32
      %add3A_162 = arith.addi %mul3A_47, %add3A_161 : i32
      %add3A_163 = arith.constant 2 : i32
      %add3A_164 = arith.addi %add3A_162, %add3A_163 : i32
      %lt3A_165 = arith.constant 250 : i32
      %lt3A_166 = arith.cmpi slt, %add3A_164, %lt3A_165 : i32
      %convert_element_type3A_167 = arith.extui %lt3A_166 : i1 to i32
      %cond3A_168 = arith.constant 0 : i32
      %cond3A_169 = arith.cmpi ne, %convert_element_type3A_167, %cond3A_168 : i32
      scf.if %cond3A_169 {
        %dma_start3A_202 = arith.constant 0 : i32
        %dma_start3A_203 = tpu.memref_slice %arg8[%add3A_164, %dma_start3A_202] : memref<250x40xi32, #tpu.memory_space<vmem>> -> memref<1x40xi32, #tpu.memory_space<vmem>>
        %dma_start3A_204 = tpu.memref_squeeze %dma_start3A_203 : memref<1x40xi32, #tpu.memory_space<vmem>> -> memref<40xi32, #tpu.memory_space<vmem>>
        %dma_start3A_205 = arith.constant 0 : i32
        %dma_start3A_206 = arith.constant 0 : i32
        %dma_start3A_207 = tpu.memref_slice %arg7[%dma_start3A_205, %dma_start3A_206] : memref<10000x32xf32, #tpu.memory_space<vmem_shared>> -> memref<10000x32xf32, #tpu.memory_space<vmem_shared>>
        tpu.enqueue_indirect_dma source(%dma_start3A_207 : memref<10000x32xf32, #tpu.memory_space<vmem_shared>>) target(%arg12 : memref<40x32xf32, #tpu.memory_space<vmem>>) offsets(%dma_start3A_204 : memref<40xi32, #tpu.memory_space<vmem>>) semaphore(%arg17 : memref<!tpu.dma_semaphore, #tpu.memory_space<semaphore_mem>>)
      } else {
      }
      %dma_wait3A_170 = arith.constant 0 : i32
      %dma_wait3A_171 = arith.constant 0 : i32
      %dma_wait3A_172 = tpu.memref_slice %arg9[%dma_wait3A_170, %dma_wait3A_171] : memref<250x40xi32, #tpu.memory_space<vmem>> -> memref<1x40xi32, #tpu.memory_space<vmem>>
      %dma_wait3A_173 = tpu.memref_squeeze %dma_wait3A_172 : memref<1x40xi32, #tpu.memory_space<vmem>> -> memref<40xi32, #tpu.memory_space<vmem>>
      %dma_wait3A_174 = arith.constant 0 : i32
      %dma_wait3A_175 = arith.constant 0 : i32
      %dma_wait3A_176 = tpu.memref_slice %arg6[%dma_wait3A_174, %dma_wait3A_175] : memref<10000x32xf32, #tpu.memory_space<vmem_shared>> -> memref<10000x32xf32, #tpu.memory_space<vmem_shared>>
      tpu.wait_indirect_dma semaphore(%arg23 : memref<!tpu.dma_semaphore, #tpu.memory_space<semaphore_mem>>) src(%arg13 : memref<40x32xf32, #tpu.memory_space<vmem>>) dst(%dma_wait3A_176 : memref<10000x32xf32, #tpu.memory_space<vmem_shared>>)
      %add3A_177 = arith.constant 5 : i32
      %add3A_178 = arith.addi %mul3A_47, %add3A_177 : i32
      %add3A_179 = arith.constant 3 : i32
      %add3A_180 = arith.addi %add3A_178, %add3A_179 : i32
      %lt3A_181 = arith.constant 250 : i32
      %lt3A_182 = arith.cmpi slt, %add3A_180, %lt3A_181 : i32
      %convert_element_type3A_183 = arith.extui %lt3A_182 : i1 to i32
      %cond3A_184 = arith.constant 0 : i32
      %cond3A_185 = arith.cmpi ne, %convert_element_type3A_183, %cond3A_184 : i32
      scf.if %cond3A_185 {
        %dma_start3A_202 = arith.constant 0 : i32
        %dma_start3A_203 = tpu.memref_slice %arg8[%add3A_180, %dma_start3A_202] : memref<250x40xi32, #tpu.memory_space<vmem>> -> memref<1x40xi32, #tpu.memory_space<vmem>>
        %dma_start3A_204 = tpu.memref_squeeze %dma_start3A_203 : memref<1x40xi32, #tpu.memory_space<vmem>> -> memref<40xi32, #tpu.memory_space<vmem>>
        %dma_start3A_205 = arith.constant 0 : i32
        %dma_start3A_206 = arith.constant 0 : i32
        %dma_start3A_207 = tpu.memref_slice %arg7[%dma_start3A_205, %dma_start3A_206] : memref<10000x32xf32, #tpu.memory_space<vmem_shared>> -> memref<10000x32xf32, #tpu.memory_space<vmem_shared>>
        tpu.enqueue_indirect_dma source(%dma_start3A_207 : memref<10000x32xf32, #tpu.memory_space<vmem_shared>>) target(%arg13 : memref<40x32xf32, #tpu.memory_space<vmem>>) offsets(%dma_start3A_204 : memref<40xi32, #tpu.memory_space<vmem>>) semaphore(%arg18 : memref<!tpu.dma_semaphore, #tpu.memory_space<semaphore_mem>>)
      } else {
      }
      %dma_wait3A_186 = arith.constant 0 : i32
      %dma_wait3A_187 = arith.constant 0 : i32
      %dma_wait3A_188 = tpu.memref_slice %arg9[%dma_wait3A_186, %dma_wait3A_187] : memref<250x40xi32, #tpu.memory_space<vmem>> -> memref<1x40xi32, #tpu.memory_space<vmem>>
      %dma_wait3A_189 = tpu.memref_squeeze %dma_wait3A_188 : memref<1x40xi32, #tpu.memory_space<vmem>> -> memref<40xi32, #tpu.memory_space<vmem>>
      %dma_wait3A_190 = arith.constant 0 : i32
      %dma_wait3A_191 = arith.constant 0 : i32
      %dma_wait3A_192 = tpu.memref_slice %arg6[%dma_wait3A_190, %dma_wait3A_191] : memref<10000x32xf32, #tpu.memory_space<vmem_shared>> -> memref<10000x32xf32, #tpu.memory_space<vmem_shared>>
      tpu.wait_indirect_dma semaphore(%arg24 : memref<!tpu.dma_semaphore, #tpu.memory_space<semaphore_mem>>) src(%arg14 : memref<40x32xf32, #tpu.memory_space<vmem>>) dst(%dma_wait3A_192 : memref<10000x32xf32, #tpu.memory_space<vmem_shared>>)
      %add3A_193 = arith.constant 5 : i32
      %add3A_194 = arith.addi %mul3A_47, %add3A_193 : i32
      %add3A_195 = arith.constant 4 : i32
      %add3A_196 = arith.addi %add3A_194, %add3A_195 : i32
      %lt3A_197 = arith.constant 250 : i32
      %lt3A_198 = arith.cmpi slt, %add3A_196, %lt3A_197 : i32
      %convert_element_type3A_199 = arith.extui %lt3A_198 : i1 to i32
      %cond3A_200 = arith.constant 0 : i32
      %cond3A_201 = arith.cmpi ne, %convert_element_type3A_199, %cond3A_200 : i32
      scf.if %cond3A_201 {
        %dma_start3A_202 = arith.constant 0 : i32
        %dma_start3A_203 = tpu.memref_slice %arg8[%add3A_196, %dma_start3A_202] : memref<250x40xi32, #tpu.memory_space<vmem>> -> memref<1x40xi32, #tpu.memory_space<vmem>>
        %dma_start3A_204 = tpu.memref_squeeze %dma_start3A_203 : memref<1x40xi32, #tpu.memory_space<vmem>> -> memref<40xi32, #tpu.memory_space<vmem>>
        %dma_start3A_205 = arith.constant 0 : i32
        %dma_start3A_206 = arith.constant 0 : i32
        %dma_start3A_207 = tpu.memref_slice %arg7[%dma_start3A_205, %dma_start3A_206] : memref<10000x32xf32, #tpu.memory_space<vmem_shared>> -> memref<10000x32xf32, #tpu.memory_space<vmem_shared>>
        tpu.enqueue_indirect_dma source(%dma_start3A_207 : memref<10000x32xf32, #tpu.memory_space<vmem_shared>>) target(%arg14 : memref<40x32xf32, #tpu.memory_space<vmem>>) offsets(%dma_start3A_204 : memref<40xi32, #tpu.memory_space<vmem>>) semaphore(%arg19 : memref<!tpu.dma_semaphore, #tpu.memory_space<semaphore_mem>>)
      } else {
      }
    }
    %scan3A_41 = arith.constant 50 : i32
    %barrier3A_42 = arith.constant 0 : index
    tpu.barrier barrier_id(%barrier3A_42)
    %lt3A = arith.constant 2 : i32
    %lt3A_43 = arith.cmpi slt, %arg1, %lt3A : i32
    %convert_element_type3A = arith.extui %lt3A_43 : i1 to i32
    %cond3A = arith.constant 0 : i32
    %cond3A_44 = arith.cmpi ne, %convert_element_type3A, %cond3A : i32
    scf.if %cond3A_44 {
      %mul3A_45 = arith.constant 5000 : i32
      %mul3A_46 = arith.muli %arg1, %mul3A_45 : i32
      "tpu.region"() ({
        %run_scoped3A = tpu.sem_alloc : memref<!tpu.dma_semaphore, #tpu.memory_space<semaphore_mem>>
        %dma_start3A_47 = arith.constant 0 : i32
        %dma_start3A_48 = arith.constant 0 : i32
        %dma_start3A_49 = tpu.memref_slice %arg5[%arg1, %arg0, %dma_start3A_47, %dma_start3A_48] : memref<2x2x5000x32xf32, #tpu.memory_space<hbm>> -> memref<1x1x5000x32xf32, #tpu.memory_space<hbm>>
        %dma_start3A_50 = tpu.memref_squeeze %dma_start3A_49 : memref<1x1x5000x32xf32, #tpu.memory_space<hbm>> -> memref<5000x32xf32, #tpu.memory_space<hbm>>
        %dma_start3A_51 = arith.constant 0 : i32
        %dma_start3A_52 = tpu.memref_slice %arg6[%mul3A_46, %dma_start3A_51] : memref<10000x32xf32, #tpu.memory_space<vmem_shared>> -> memref<5000x32xf32, #tpu.memory_space<vmem_shared>>
        tpu.enqueue_dma source(%dma_start3A_52 : memref<5000x32xf32, #tpu.memory_space<vmem_shared>>) target(%dma_start3A_50 : memref<5000x32xf32, #tpu.memory_space<hbm>>) target_semaphore(%run_scoped3A : memref<!tpu.dma_semaphore, #tpu.memory_space<semaphore_mem>>)
        %dma_wait3A = arith.constant 0 : i32
        %dma_wait3A_53 = arith.constant 0 : i32
        %dma_wait3A_54 = tpu.memref_slice %arg5[%arg1, %arg0, %dma_wait3A, %dma_wait3A_53] : memref<2x2x5000x32xf32, #tpu.memory_space<hbm>> -> memref<1x1x5000x32xf32, #tpu.memory_space<hbm>>
        %dma_wait3A_55 = tpu.memref_squeeze %dma_wait3A_54 : memref<1x1x5000x32xf32, #tpu.memory_space<hbm>> -> memref<5000x32xf32, #tpu.memory_space<hbm>>
        %dma_wait3A_56 = arith.constant 0 : i32
        %dma_wait3A_57 = tpu.memref_slice %arg6[%mul3A_46, %dma_wait3A_56] : memref<10000x32xf32, #tpu.memory_space<vmem_shared>> -> memref<5000x32xf32, #tpu.memory_space<vmem_shared>>
        tpu.wait_dma2 semaphore(%run_scoped3A : memref<!tpu.dma_semaphore, #tpu.memory_space<semaphore_mem>>) src(%dma_wait3A_57 : memref<5000x32xf32, #tpu.memory_space<vmem_shared>>) dst(%dma_wait3A_55 : memref<5000x32xf32, #tpu.memory_space<hbm>>)
        tpu.yield
      }) : () -> ()
    } else {
    }
    return
  }
}

module attributes {stable_mosaic.version = 14 : i64} {
  func.func @_tc_mm_body(%arg0: i32, %arg1: memref<5000x128xf32, #tpu.memory_space<vmem>>, %arg2: memref<128x32xf32, #tpu.memory_space<vmem>>, %arg3: memref<5000x32xf32, #tpu.memory_space<vmem>>) attributes {dimension_semantics = [#tpu.dimension_semantics<arbitrary>], iteration_bounds = array<i64: 2>, scalar_prefetch = 0 : i64, scratch_operands = 0 : i64, tpu.core_type = #tpu.core_type<tc>, window_params = [{transform_indices = @transform_0, window_bounds = array<i64: 5000, 128>}, {pipeline_mode = #tpu.pipeline_mode<synchronous>, transform_indices = @transform_1, window_bounds = array<i64: 128, 32>}, {transform_indices = @transform_2, window_bounds = array<i64: 5000, 32>}]} {
    %get3A = arith.constant 0 : index
    %get3A_0 = arith.constant 0 : index
    %get3A_1 = vector.load %arg1[%get3A, %get3A_0] : memref<5000x128xf32, #tpu.memory_space<vmem>>, vector<5000x128xf32>
    %get3A_2 = arith.constant 0 : index
    %get3A_3 = arith.constant 0 : index
    %get3A_4 = vector.load %arg2[%get3A_2, %get3A_3] : memref<128x32xf32, #tpu.memory_space<vmem>>, vector<128x32xf32>
    %dot_general3A = arith.constant dense<0.000000e+00> : vector<5000x32xf32>
    %dot_general3A_5 = tpu.matmul %get3A_1, %get3A_4, %dot_general3A {dimension_numbers = #tpu.dot_dimension_numbers<[1], [0], [0], [1], [0, 0, 1, 1], [], []>, transpose_lhs_hint = false} : vector<5000x128xf32>, vector<128x32xf32>, vector<5000x32xf32> -> vector<5000x32xf32>
    %swap3A = arith.constant 0 : index
    %swap3A_6 = arith.constant 0 : index
    %swap3A_7 = vector.load %arg3[%swap3A, %swap3A_6] : memref<5000x32xf32, #tpu.memory_space<vmem>>, vector<5000x32xf32>
    tpu.vector_store %arg3[%swap3A, %swap3A_6], %dot_general3A_5 {strides = array<i32>} : memref<5000x32xf32, #tpu.memory_space<vmem>>, vector<5000x32xf32>,
    return
  }
  func.func @transform_0(%arg0: i32) -> (i32, i32) {
    %c0_i32 = arith.constant 0 : i32
    %c0_i32_0 = arith.constant 0 : i32
    return %arg0, %c0_i32 : i32, i32
  }
  func.func @transform_1(%arg0: i32) -> (i32, i32) {
    %c0_i32 = arith.constant 0 : i32
    %c0_i32_0 = arith.constant 0 : i32
    %c0_i32_1 = arith.constant 0 : i32
    return %c0_i32, %c0_i32_0 : i32, i32
  }
  func.func @transform_2(%arg0: i32) -> (i32, i32) {
    %c0_i32 = arith.constant 0 : i32
    %c0_i32_0 = arith.constant 0 : i32
    return %arg0, %c0_i32 : i32, i32
  }
}

module attributes {stable_mosaic.version = 14 : i64} {
  func.func @_tc1_body(%arg0: i32, %arg1: memref<5000x32xf32, #tpu.memory_space<vmem>>, %arg2: memref<1x2x5000x8xf32, #tpu.memory_space<vmem>>, %arg3: memref<5000x32xf32, #tpu.memory_space<vmem>>, %arg4: memref<5000x1xf32, #tpu.memory_space<vmem>>) attributes {dimension_semantics = [#tpu.dimension_semantics<arbitrary>], iteration_bounds = array<i64: 2>, scalar_prefetch = 0 : i64, scratch_operands = 0 : i64, tpu.core_type = #tpu.core_type<tc>, window_params = [{transform_indices = @transform_0, window_bounds = array<i64: 5000, 32>}, {transform_indices = @transform_1, window_bounds = array<i64: 1, 2, 5000, 8>}, {transform_indices = @transform_2, window_bounds = array<i64: 5000, 32>}, {transform_indices = @transform_3, window_bounds = array<i64: 5000, 1>}]} {
    %get3A = arith.constant 0 : index
    %get3A_0 = arith.constant 0 : index
    %get3A_1 = arith.constant 0 : index
    %get3A_2 = arith.constant 0 : index
    %get3A_3 = vector.load %arg2[%get3A, %get3A_0, %get3A_1, %get3A_2] : memref<1x2x5000x8xf32, #tpu.memory_space<vmem>>, vector<1x2x5000x8xf32>
    %slice3A = vector.extract_strided_slice %get3A_3 {offsets = [0, 0, 0, 0], sizes = [1, 1, 5000, 1], strides = [1, 1, 1, 1]} : vector<1x2x5000x8xf32> to vector<1x1x5000x1xf32>
    %squeeze3A = vector.shape_cast %slice3A : vector<1x1x5000x1xf32> to vector<5000x1xf32>
    %slice3A_4 = vector.extract_strided_slice %get3A_3 {offsets = [0, 1, 0, 0], sizes = [1, 1, 5000, 1], strides = [1, 1, 1, 1]} : vector<1x2x5000x8xf32> to vector<1x1x5000x1xf32>
    %squeeze3A_5 = vector.shape_cast %slice3A_4 : vector<1x1x5000x1xf32> to vector<5000x1xf32>
    %add3A = arith.addf %squeeze3A, %squeeze3A_5 : vector<5000x1xf32>
    %add3A_6 = arith.constant 1.000000e+00 : f32
    %add3A_7 = vector.broadcast %add3A_6 : f32 to vector<5000x1xf32>
    %add3A_8 = arith.addf %add3A, %add3A_7 : vector<5000x1xf32>
    %rsqrt3A = math.rsqrt %add3A_8 : vector<5000x1xf32>
    %get3A_9 = arith.constant 0 : index
    %get3A_10 = arith.constant 0 : index
    %get3A_11 = vector.load %arg1[%get3A_9, %get3A_10] : memref<5000x32xf32, #tpu.memory_space<vmem>>, vector<5000x32xf32>
    %mul3A = vector.broadcast %rsqrt3A : vector<5000x1xf32> to vector<5000x32xf32>
    %mul3A_12 = arith.mulf %get3A_11, %mul3A : vector<5000x32xf32>
    %swap3A = arith.constant 0 : index
    %swap3A_13 = arith.constant 0 : index
    %swap3A_14 = vector.load %arg3[%swap3A, %swap3A_13] : memref<5000x32xf32, #tpu.memory_space<vmem>>, vector<5000x32xf32>
    tpu.vector_store %arg3[%swap3A, %swap3A_13], %mul3A_12 {strides = array<i32>} : memref<5000x32xf32, #tpu.memory_space<vmem>>, vector<5000x32xf32>,
    %swap3A_15 = arith.constant 0 : index
    %swap3A_16 = arith.constant 0 : index
    %swap3A_17 = vector.load %arg4[%swap3A_15, %swap3A_16] : memref<5000x1xf32, #tpu.memory_space<vmem>>, vector<5000x1xf32>
    tpu.vector_store %arg4[%swap3A_15, %swap3A_16], %rsqrt3A {strides = array<i32>} : memref<5000x1xf32, #tpu.memory_space<vmem>>, vector<5000x1xf32>,
    return
  }
  func.func @transform_0(%arg0: i32) -> (i32, i32) {
    %c0_i32 = arith.constant 0 : i32
    %c0_i32_0 = arith.constant 0 : i32
    return %arg0, %c0_i32 : i32, i32
  }
  func.func @transform_1(%arg0: i32) -> (i32, i32, i32, i32) {
    %c0_i32 = arith.constant 0 : i32
    %c0_i32_0 = arith.constant 0 : i32
    %c0_i32_1 = arith.constant 0 : i32
    %c0_i32_2 = arith.constant 0 : i32
    return %arg0, %c0_i32, %c0_i32_0, %c0_i32_1 : i32, i32, i32, i32
  }
  func.func @transform_2(%arg0: i32) -> (i32, i32) {
    %c0_i32 = arith.constant 0 : i32
    %c0_i32_0 = arith.constant 0 : i32
    return %arg0, %c0_i32 : i32, i32
  }
  func.func @transform_3(%arg0: i32) -> (i32, i32) {
    %c0_i32 = arith.constant 0 : i32
    %c0_i32_0 = arith.constant 0 : i32
    return %arg0, %c0_i32 : i32, i32
  }
}

module attributes {stable_mosaic.version = 14 : i64} {
  func.func @_tc_mid_body(%arg0: i32, %arg1: memref<1x2x5000x32xf32, #tpu.memory_space<vmem>>, %arg2: memref<5000x32xf32, #tpu.memory_space<vmem>>, %arg3: memref<5000x1xf32, #tpu.memory_space<vmem>>, %arg4: memref<1x32xf32, #tpu.memory_space<vmem>>, %arg5: memref<32x16xf32, #tpu.memory_space<vmem>>, %arg6: memref<5000x16xf32, #tpu.memory_space<vmem>>) attributes {dimension_semantics = [#tpu.dimension_semantics<arbitrary>], iteration_bounds = array<i64: 2>, scalar_prefetch = 0 : i64, scratch_operands = 0 : i64, tpu.core_type = #tpu.core_type<tc>, window_params = [{transform_indices = @transform_0, window_bounds = array<i64: 1, 2, 5000, 32>}, {transform_indices = @transform_1, window_bounds = array<i64: 5000, 32>}, {transform_indices = @transform_2, window_bounds = array<i64: 5000, 1>}, {pipeline_mode = #tpu.pipeline_mode<synchronous>, transform_indices = @transform_3, window_bounds = array<i64: 1, 32>}, {pipeline_mode = #tpu.pipeline_mode<synchronous>, transform_indices = @transform_4, window_bounds = array<i64: 32, 16>}, {transform_indices = @transform_5, window_bounds = array<i64: 5000, 16>}]} {
    %get3A = arith.constant 0 : index
    %get3A_0 = arith.constant 0 : index
    %get3A_1 = arith.constant 0 : index
    %get3A_2 = arith.constant 0 : index
    %get3A_3 = vector.load %arg1[%get3A, %get3A_0, %get3A_1, %get3A_2] : memref<1x2x5000x32xf32, #tpu.memory_space<vmem>>, vector<1x2x5000x32xf32>
    %slice3A = vector.extract_strided_slice %get3A_3 {offsets = [0, 0, 0, 0], sizes = [1, 1, 5000, 32], strides = [1, 1, 1, 1]} : vector<1x2x5000x32xf32> to vector<1x1x5000x32xf32>
    %squeeze3A = vector.shape_cast %slice3A : vector<1x1x5000x32xf32> to vector<5000x32xf32>
    %slice3A_4 = vector.extract_strided_slice %get3A_3 {offsets = [0, 1, 0, 0], sizes = [1, 1, 5000, 32], strides = [1, 1, 1, 1]} : vector<1x2x5000x32xf32> to vector<1x1x5000x32xf32>
    %squeeze3A_5 = vector.shape_cast %slice3A_4 : vector<1x1x5000x32xf32> to vector<5000x32xf32>
    %add3A = arith.addf %squeeze3A, %squeeze3A_5 : vector<5000x32xf32>
    %get3A_6 = arith.constant 0 : index
    %get3A_7 = arith.constant 0 : index
    %get3A_8 = vector.load %arg2[%get3A_6, %get3A_7] : memref<5000x32xf32, #tpu.memory_space<vmem>>, vector<5000x32xf32>
    %sub3A = arith.subf %add3A, %get3A_8 : vector<5000x32xf32>
    %get3A_9 = arith.constant 0 : index
    %get3A_10 = arith.constant 0 : index
    %get3A_11 = vector.load %arg3[%get3A_9, %get3A_10] : memref<5000x1xf32, #tpu.memory_space<vmem>>, vector<5000x1xf32>
    %mul3A = vector.broadcast %get3A_11 : vector<5000x1xf32> to vector<5000x32xf32>
    %mul3A_12 = arith.mulf %sub3A, %mul3A : vector<5000x32xf32>
    %get3A_13 = arith.constant 0 : index
    %get3A_14 = arith.constant 0 : index
    %get3A_15 = vector.load %arg4[%get3A_13, %get3A_14] : memref<1x32xf32, #tpu.memory_space<vmem>>, vector<1x32xf32>
    %add3A_16 = vector.broadcast %get3A_15 : vector<1x32xf32> to vector<5000x32xf32>
    %add3A_17 = arith.addf %mul3A_12, %add3A_16 : vector<5000x32xf32>
    %max3A = arith.constant 0.000000e+00 : f32
    %max3A_18 = vector.broadcast %max3A : f32 to vector<5000x32xf32>
    %max3A_19 = arith.maximumf %add3A_17, %max3A_18 : vector<5000x32xf32>
    %get3A_20 = arith.constant 0 : index
    %get3A_21 = arith.constant 0 : index
    %get3A_22 = vector.load %arg5[%get3A_20, %get3A_21] : memref<32x16xf32, #tpu.memory_space<vmem>>, vector<32x16xf32>
    %dot_general3A = arith.constant dense<0.000000e+00> : vector<5000x16xf32>
    %dot_general3A_23 = tpu.matmul %max3A_19, %get3A_22, %dot_general3A {dimension_numbers = #tpu.dot_dimension_numbers<[1], [0], [0], [1], [0, 0, 1, 1], [], []>, transpose_lhs_hint = false} : vector<5000x32xf32>, vector<32x16xf32>, vector<5000x16xf32> -> vector<5000x16xf32>
    %get3A_24 = arith.constant 0 : index
    %get3A_25 = arith.constant 0 : index
    %get3A_26 = vector.load %arg3[%get3A_24, %get3A_25] : memref<5000x1xf32, #tpu.memory_space<vmem>>, vector<5000x1xf32>
    %mul3A_27 = vector.broadcast %get3A_26 : vector<5000x1xf32> to vector<5000x16xf32>
    %mul3A_28 = arith.mulf %dot_general3A_23, %mul3A_27 : vector<5000x16xf32>
    %swap3A = arith.constant 0 : index
    %swap3A_29 = arith.constant 0 : index
    %swap3A_30 = vector.load %arg6[%swap3A, %swap3A_29] : memref<5000x16xf32, #tpu.memory_space<vmem>>, vector<5000x16xf32>
    tpu.vector_store %arg6[%swap3A, %swap3A_29], %mul3A_28 {strides = array<i32>} : memref<5000x16xf32, #tpu.memory_space<vmem>>, vector<5000x16xf32>,
    return
  }
  func.func @transform_0(%arg0: i32) -> (i32, i32, i32, i32) {
    %c0_i32 = arith.constant 0 : i32
    %c0_i32_0 = arith.constant 0 : i32
    %c0_i32_1 = arith.constant 0 : i32
    %c0_i32_2 = arith.constant 0 : i32
    return %arg0, %c0_i32, %c0_i32_0, %c0_i32_1 : i32, i32, i32, i32
  }
  func.func @transform_1(%arg0: i32) -> (i32, i32) {
    %c0_i32 = arith.constant 0 : i32
    %c0_i32_0 = arith.constant 0 : i32
    return %arg0, %c0_i32 : i32, i32
  }
  func.func @transform_2(%arg0: i32) -> (i32, i32) {
    %c0_i32 = arith.constant 0 : i32
    %c0_i32_0 = arith.constant 0 : i32
    return %arg0, %c0_i32 : i32, i32
  }
  func.func @transform_3(%arg0: i32) -> (i32, i32) {
    %c0_i32 = arith.constant 0 : i32
    %c0_i32_0 = arith.constant 0 : i32
    %c0_i32_1 = arith.constant 0 : i32
    return %c0_i32, %c0_i32_0 : i32, i32
  }
  func.func @transform_4(%arg0: i32) -> (i32, i32) {
    %c0_i32 = arith.constant 0 : i32
    %c0_i32_0 = arith.constant 0 : i32
    %c0_i32_1 = arith.constant 0 : i32
    return %c0_i32, %c0_i32_0 : i32, i32
  }
  func.func @transform_5(%arg0: i32) -> (i32, i32) {
    %c0_i32 = arith.constant 0 : i32
    %c0_i32_0 = arith.constant 0 : i32
    return %arg0, %c0_i32 : i32, i32
  }
}

module attributes {stable_mosaic.version = 14 : i64} {
  func.func @_tc_out_body(%arg0: i32, %arg1: memref<1x2x5000x16xf32, #tpu.memory_space<vmem>>, %arg2: memref<5000x16xf32, #tpu.memory_space<vmem>>, %arg3: memref<5000x1xf32, #tpu.memory_space<vmem>>, %arg4: memref<1x16xf32, #tpu.memory_space<vmem>>, %arg5: memref<16x1xf32, #tpu.memory_space<vmem>>, %arg6: memref<1x1xf32, #tpu.memory_space<vmem>>, %arg7: memref<5000x1xf32, #tpu.memory_space<vmem>>) attributes {dimension_semantics = [#tpu.dimension_semantics<arbitrary>], iteration_bounds = array<i64: 2>, scalar_prefetch = 0 : i64, scratch_operands = 0 : i64, tpu.core_type = #tpu.core_type<tc>, window_params = [{transform_indices = @transform_0, window_bounds = array<i64: 1, 2, 5000, 16>}, {transform_indices = @transform_1, window_bounds = array<i64: 5000, 16>}, {transform_indices = @transform_2, window_bounds = array<i64: 5000, 1>}, {pipeline_mode = #tpu.pipeline_mode<synchronous>, transform_indices = @transform_3, window_bounds = array<i64: 1, 16>}, {pipeline_mode = #tpu.pipeline_mode<synchronous>, transform_indices = @transform_4, window_bounds = array<i64: 16, 1>}, {pipeline_mode = #tpu.pipeline_mode<synchronous>, transform_indices = @transform_5, window_bounds = array<i64: 1, 1>}, {transform_indices = @transform_6, window_bounds = array<i64: 5000, 1>}]} {
    %get3A = arith.constant 0 : index
    %get3A_0 = arith.constant 0 : index
    %get3A_1 = arith.constant 0 : index
    %get3A_2 = arith.constant 0 : index
    %get3A_3 = vector.load %arg1[%get3A, %get3A_0, %get3A_1, %get3A_2] : memref<1x2x5000x16xf32, #tpu.memory_space<vmem>>, vector<1x2x5000x16xf32>
    %slice3A = vector.extract_strided_slice %get3A_3 {offsets = [0, 0, 0, 0], sizes = [1, 1, 5000, 16], strides = [1, 1, 1, 1]} : vector<1x2x5000x16xf32> to vector<1x1x5000x16xf32>
    %squeeze3A = vector.shape_cast %slice3A : vector<1x1x5000x16xf32> to vector<5000x16xf32>
    %slice3A_4 = vector.extract_strided_slice %get3A_3 {offsets = [0, 1, 0, 0], sizes = [1, 1, 5000, 16], strides = [1, 1, 1, 1]} : vector<1x2x5000x16xf32> to vector<1x1x5000x16xf32>
    %squeeze3A_5 = vector.shape_cast %slice3A_4 : vector<1x1x5000x16xf32> to vector<5000x16xf32>
    %add3A = arith.addf %squeeze3A, %squeeze3A_5 : vector<5000x16xf32>
    %get3A_6 = arith.constant 0 : index
    %get3A_7 = arith.constant 0 : index
    %get3A_8 = vector.load %arg2[%get3A_6, %get3A_7] : memref<5000x16xf32, #tpu.memory_space<vmem>>, vector<5000x16xf32>
    %sub3A = arith.subf %add3A, %get3A_8 : vector<5000x16xf32>
    %get3A_9 = arith.constant 0 : index
    %get3A_10 = arith.constant 0 : index
    %get3A_11 = vector.load %arg3[%get3A_9, %get3A_10] : memref<5000x1xf32, #tpu.memory_space<vmem>>, vector<5000x1xf32>
    %mul3A = vector.broadcast %get3A_11 : vector<5000x1xf32> to vector<5000x16xf32>
    %mul3A_12 = arith.mulf %sub3A, %mul3A : vector<5000x16xf32>
    %get3A_13 = arith.constant 0 : index
    %get3A_14 = arith.constant 0 : index
    %get3A_15 = vector.load %arg4[%get3A_13, %get3A_14] : memref<1x16xf32, #tpu.memory_space<vmem>>, vector<1x16xf32>
    %add3A_16 = vector.broadcast %get3A_15 : vector<1x16xf32> to vector<5000x16xf32>
    %add3A_17 = arith.addf %mul3A_12, %add3A_16 : vector<5000x16xf32>
    %max3A = arith.constant 0.000000e+00 : f32
    %max3A_18 = vector.broadcast %max3A : f32 to vector<5000x16xf32>
    %max3A_19 = arith.maximumf %add3A_17, %max3A_18 : vector<5000x16xf32>
    %get3A_20 = arith.constant 0 : index
    %get3A_21 = arith.constant 0 : index
    %get3A_22 = vector.load %arg5[%get3A_20, %get3A_21] : memref<16x1xf32, #tpu.memory_space<vmem>>, vector<16x1xf32>
    %dot_general3A = arith.constant dense<0.000000e+00> : vector<5000x1xf32>
    %dot_general3A_23 = tpu.matmul %max3A_19, %get3A_22, %dot_general3A {dimension_numbers = #tpu.dot_dimension_numbers<[1], [0], [0], [1], [0, 0, 1, 1], [], []>, transpose_lhs_hint = false} : vector<5000x16xf32>, vector<16x1xf32>, vector<5000x1xf32> -> vector<5000x1xf32>
    %get3A_24 = arith.constant 0 : index
    %get3A_25 = arith.constant 0 : index
    %get3A_26 = vector.load %arg6[%get3A_24, %get3A_25] : memref<1x1xf32, #tpu.memory_space<vmem>>, vector<1x1xf32>
    %add3A_27 = vector.broadcast %get3A_26 : vector<1x1xf32> to vector<5000x1xf32>
    %add3A_28 = arith.addf %dot_general3A_23, %add3A_27 : vector<5000x1xf32>
    %logistic3A = arith.negf %add3A_28 : vector<5000x1xf32>
    %logistic3A_29 = math.exp %logistic3A : vector<5000x1xf32>
    %logistic3A_30 = arith.constant 1.000000e+00 : f32
    %logistic3A_31 = vector.broadcast %logistic3A_30 : f32 to vector<5000x1xf32>
    %logistic3A_32 = arith.addf %logistic3A_31, %logistic3A_29 : vector<5000x1xf32>
    %logistic3A_33 = arith.divf %logistic3A_31, %logistic3A_32 : vector<5000x1xf32>
    %swap3A = arith.constant 0 : index
    %swap3A_34 = arith.constant 0 : index
    %swap3A_35 = vector.load %arg7[%swap3A, %swap3A_34] : memref<5000x1xf32, #tpu.memory_space<vmem>>, vector<5000x1xf32>
    tpu.vector_store %arg7[%swap3A, %swap3A_34], %logistic3A_33 {strides = array<i32>} : memref<5000x1xf32, #tpu.memory_space<vmem>>, vector<5000x1xf32>,
    return
  }
  func.func @transform_0(%arg0: i32) -> (i32, i32, i32, i32) {
    %c0_i32 = arith.constant 0 : i32
    %c0_i32_0 = arith.constant 0 : i32
    %c0_i32_1 = arith.constant 0 : i32
    %c0_i32_2 = arith.constant 0 : i32
    return %arg0, %c0_i32, %c0_i32_0, %c0_i32_1 : i32, i32, i32, i32
  }
  func.func @transform_1(%arg0: i32) -> (i32, i32) {
    %c0_i32 = arith.constant 0 : i32
    %c0_i32_0 = arith.constant 0 : i32
    return %arg0, %c0_i32 : i32, i32
  }
  func.func @transform_2(%arg0: i32) -> (i32, i32) {
    %c0_i32 = arith.constant 0 : i32
    %c0_i32_0 = arith.constant 0 : i32
    return %arg0, %c0_i32 : i32, i32
  }
  func.func @transform_3(%arg0: i32) -> (i32, i32) {
    %c0_i32 = arith.constant 0 : i32
    %c0_i32_0 = arith.constant 0 : i32
    %c0_i32_1 = arith.constant 0 : i32
    return %c0_i32, %c0_i32_0 : i32, i32
  }
  func.func @transform_4(%arg0: i32) -> (i32, i32) {
    %c0_i32 = arith.constant 0 : i32
    %c0_i32_0 = arith.constant 0 : i32
    %c0_i32_1 = arith.constant 0 : i32
    return %c0_i32, %c0_i32_0 : i32, i32
  }
  func.func @transform_5(%arg0: i32) -> (i32, i32) {
    %c0_i32 = arith.constant 0 : i32
    %c0_i32_0 = arith.constant 0 : i32
    %c0_i32_1 = arith.constant 0 : i32
    return %c0_i32, %c0_i32_0 : i32, i32
  }
  func.func @transform_6(%arg0: i32) -> (i32, i32) {
    %c0_i32 = arith.constant 0 : i32
    %c0_i32_0 = arith.constant 0 : i32
    return %arg0, %c0_i32 : i32, i32
  }
}

</mosaic_0001>

<sc_bundles>
// kernel: kernel.12.cloned.1.call-start
scs
__scs_entry_jumppad:
0x0: {  	(pc) =	sbr.rel $0x88, $3  }
0x1: {  	(tag) =	ssettag $0x0;
	lr =	simm.s32 $0x1  }
0x2: {  	[smem:$0x3F99] =	sst lr;
	_ =	strace $0xD0000000  }
0x3: {  	_ = 	snop  }
0x4: {  	_ = 	snop  }
0x5: {  	_ = 	snop  }
0x6: {  	_ = 	snop  }
0x7: {  	_ = 	snop  }
__scs_overlays_trampoline_lowered:
0x8: {  	[smem:$0x3FA8] =	sst s0  }
0x9: {  	[smem:$0x3FA9] =	sst s1  }
0xa: {  	[smem:$0x3FAA] =	sst s2  }
0xb: {  	[smem:$0x3FAB] =	sst s3  }
0xc: {  	[smem:$0x3FAC] =	sst s4  }
0xd: {  	[smem:$0x3FAD] =	sst s5  }
0xe: {  	[smem:$0x3FAE] =	sst s6  }
0xf: {  	[smem:$0x3FAF] =	sst s7  }
0x10: {  	[smem:$0x3FB0] =	sst s8  }
0x11: {  	[smem:$0x3FB1] =	sst s9;
	s0 =	simm.s32 @!p0 $0x0  }
0x12: {  	s1 =	sld [smem:$0x3F97];
	s0 =	simm.s32 @p0 $0x1  }
0x13: {  	[smem:$0x3FB2] =	sst s0;
	s0 =	simm.s32 @!p1 $0x0  }
0x14: {  	s2 =	sld [smem:$0x3F96];
	s0 =	simm.s32 @p1 $0x1  }
0x15: {  	[smem:$0x3FB3] =	sst s0;
	s0 =	simm.s32 @!p2 $0x0  }
0x16: {  	s3 =	sld [smem:$0x3FDB];
	s0 =	simm.s32 @p2 $0x1  }
0x17: {  	s4 =	simm.s32 $0x1BF5;
	[smem:$0x3FB5] =	sst s0  }
0x18: {  	s0 =	sld [smem:$0x3F98];
	_ =	swait.ge [sflag:s4], $0x0  }
0x19: {  	s7 =	sld [smem:$0x3F99]  }
0x1a: {  	s8 =	sadd.s32 $0xFFFFE003, lr  }
0x1b: {  	s9 =	sadd.s32 $0xFFFFFEF7, lr;
	s5 =	simm.s32 $0xFFFFFFFF;
	p2 =	slt.u32 s8, $0xFFFFF086  }
0x1c: {  	p1 =	slt.u32 s9, $0xF7A;
	s5 =	simm.s32 @!p2 $0x0  }
0x1d: {  	s5 =	simm.s32 @p1 $0x1;
	p0 =	seq.s32 s7, s2  }
0x1e: {  	s7 =	smul.u32 @!p0 $0xF7A, s2;
	p2 =	seq.s32 @!p0 s5, $0x0  }
0x1f: {  	s9 =	smul.u32 $0xF7A, s1;
	s8 =	simm.s32 @!p0 $0x1BF5;
	p2 =	por !p2, p0  }
0x20: {  	[sflag:s8] =	ssyncset.s32 @!p0 $0xFFFFF086;
	s6 =	sadd.s32 @!p0 s3, s7;
	s7 =	simm.s32 @!p0 $0x108  }
0x21: {  	s3 =	sadd.s32 s3, s9;
	s6 =	sadd.s32 @!p0 $0x88, s6;
	s7 =	simm.s32 @p2 $0x1082  }
0x22: {  	[simem:s7], [sflag:s8] =	dma.local @!p0 [hbm:s6], $0xF7A  }
0x23: {  	s9 =	sor.u32 $0xD0000000, s2;
	s6 =	simm.s32 $0x108;
	_ =	swait.ge @!p0 [sflag:s8], $0x0  }
0x24: {  	s3 =	sadd.s32 $0x88, s3;
	s6 =	simm.s32 @!p1 $0x1082;
	[sflag:s4] =	ssyncset.s32 $0xFFFFF086  }
0x25: {  	[simem:s6], [sflag:s4] =	dma.local [hbm:s3], $0xF7A  }
0x26: {  	[smem:$0x3F99] =	sst s1;
	(tag) =	ssettag s2;
	_ =	strace s9  }
0x27: {  	s1 =	sld [smem:$0x3FA9]  }
0x28: {  	s2 =	sld [smem:$0x3FAA]  }
0x29: {  	s4 =	sld [smem:$0x3FAC]  }
0x2a: {  	p0 =	seq.s32 s5, $0x0;
	s5 =	sld [smem:$0x3FAD]  }
0x2b: {  	s6 =	sld [smem:$0x3FAE]  }
0x2c: {  	s7 =	sld [smem:$0x3FAF]  }
0x2d: {  	s3 =	simm.s32 $0x108;
	s8 =	sld [smem:$0x3FB0]  }
0x2e: {  	s3 =	simm.s32 @!p0 $0x1082;
	s9 =	sld [smem:$0x3FB1]  }
0x2f: {  	lr =	sadd.s32 s0, s3;
	s0 =	sld [smem:$0x3FA8]  }
0x30: {  	s3 =	sld [smem:$0x3FAB]  }
0x31: {  	[smem:$0x3FB4] =	sst s10  }
0x32: {  	s10 =	sld [smem:$0x3FB2];
	_ =	sdelay $0x3  }
0x33: {  	p0 =	seq.s32 s10, $0x1;
	s10 =	sld [smem:$0x3FB4];
	_ =	sdelay $0x3  }
0x34: {  	[smem:$0x3FB4] =	sst s10  }
0x35: {  	s10 =	sld [smem:$0x3FB3];
	_ =	sdelay $0x3  }
0x36: {  	p1 =	seq.s32 s10, $0x1;
	s10 =	sld [smem:$0x3FB4];
	_ =	sdelay $0x3  }
0x37: {  	[smem:$0x3FB4] =	sst s10  }
0x38: {  	s10 =	sld [smem:$0x3FB5]  }
0x39: {  	_ = 	snop;
	(pc) =	sbr.ind lr, $3  }
0x3a: {  	_ = 	snop  }
0x3b: {  	_ = 	snop  }
0x3c: {  	p2 =	seq.s32 s10, $0x1;
	s10 =	sld [smem:$0x3FB4]  }
0x3d: {  	_ =	shalt  }
0x3e: {  	_ =	shalt  }
0x3f: {  	_ =	shalt  }
0x40: {  	_ =	shalt  }
0x41: {  	_ =	shalt  }
0x42: {  	_ =	shalt  }
0x43: {  	_ =	shalt  }
0x44: {  	_ =	shalt  }
0x45: {  	_ =	shalt  }
0x46: {  	_ =	shalt  }
0x47: {  	_ =	shalt  }
0x48: {  	_ =	shalt  }
0x49: {  	_ =	shalt  }
0x4a: {  	_ =	shalt  }
0x4b: {  	_ =	shalt  }
0x4c: {  	_ =	shalt  }
0x4d: {  	_ =	shalt  }
0x4e: {  	_ =	shalt  }
0x4f: {  	_ =	shalt  }
0x50: {  	_ =	shalt  }
0x51: {  	_ =	shalt  }
0x52: {  	_ =	shalt  }
0x53: {  	_ =	shalt  }
0x54: {  	_ =	shalt  }
0x55: {  	_ =	shalt  }
0x56: {  	_ =	shalt  }
0x57: {  	_ =	shalt  }
0x58: {  	_ =	shalt  }
0x59: {  	_ =	shalt  }
0x5a: {  	_ =	shalt  }
0x5b: {  	_ =	shalt  }
0x5c: {  	_ =	shalt  }
0x5d: {  	_ =	shalt  }
0x5e: {  	_ =	shalt  }
0x5f: {  	_ =	shalt  }
0x60: {  	_ =	shalt  }
0x61: {  	_ =	shalt  }
0x62: {  	_ =	shalt  }
0x63: {  	_ =	shalt  }
0x64: {  	_ =	shalt  }
0x65: {  	_ =	shalt  }
0x66: {  	_ =	shalt  }
0x67: {  	_ =	shalt  }
0x68: {  	_ =	shalt  }
0x69: {  	_ =	shalt  }
0x6a: {  	_ =	shalt  }
0x6b: {  	_ =	shalt  }
0x6c: {  	_ =	shalt  }
0x6d: {  	_ =	shalt  }
0x6e: {  	_ =	shalt  }
0x6f: {  	_ =	shalt  }
0x70: {  	_ =	shalt  }
0x71: {  	_ =	shalt  }
0x72: {  	_ =	shalt  }
0x73: {  	_ =	shalt  }
0x74: {  	_ =	shalt  }
0x75: {  	_ =	shalt  }
0x76: {  	_ =	shalt  }
0x77: {  	_ =	shalt  }
0x78: {  	_ =	shalt  }
0x79: {  	_ =	shalt  }
0x7a: {  	_ =	shalt  }
0x7b: {  	_ =	shalt  }
0x7c: {  	_ =	shalt  }
0x7d: {  	_ =	shalt  }
0x7e: {  	_ =	shalt  }
0x7f: {  	_ =	shalt  }
0x80: {  	_ =	shalt  }
0x81: {  	_ =	shalt  }
0x82: {  	_ =	shalt  }
0x83: {  	_ =	shalt  }
0x84: {  	_ =	shalt  }
0x85: {  	_ =	shalt  }
0x86: {  	_ =	shalt  }
0x87: {  	_ =	shalt  }
.Lfunc_end0:
.L_simem_size_0:
called_computation.1_lowered:
.L_overlay_start_0:
0x88: {  	s2 =	sld [smem:$0x3FD9]  }
0x89: {  	s3 =	sld [smem:$0x3FFE];
	_ =	sdelay $0x1  }
0x8a: {  	s1 =	srdreg.scid  }
0x8b: {  	s0 =	sand.u32 $0x1, s1  }
0x8c: {  	s16 =	sshll.u32 s0, $0xA;
	s2 =	sadd.s32 s3, s2  }
0x8d: {  	s2 =	sadd.s32 s2, s16  }
0x8e: {  	[smem:$0x3FC0] =	sst s2  }
0x8f: {  	_ = 	snop  }
0x90: {  	(tm) =	ssettm $0x1  }
0x91: {  	s17 =	sld [smem:$0x3FFB];
	_ =	sdelay $0x3  }
0x92: {  	_ =	strace s17  }
0x93: {  	s2 =	sld [smem:$0x3FFC];
	_ =	sdelay $0x3  }
0x94: {  	_ =	strace s2  }
0x95: {  	s2 =	sld [smem:$0x3FFD];
	_ =	sdelay $0x3  }
0x96: {  	_ =	strace s2  }
0x97: {  	_ =	strace $0x8FFFFFFF  }
0x98: {  	s18 =	sld [smem:$0x3FDB];
	_ =	sdelay $0x1  }
0x99: {  	s19 =	simm.s32 $_scs_section_size  }
0x9a: {  	s4 =	simm.s32 $_size__tile_overlayer_lowered;
	s5 =	simm.s32 $_tile_overlayer_lowered  }
0x9b: {  	s22 =	simm.s32 $0x1BFF;
	s21 =	sshll.u32 s5, $0x1;
	s2 =	sadd.s32 s19, s18  }
0x9c: {  	s6 =	simm.s32 $0x0;
	s20 =	sshll.u32 s4, $0x1;
	s4 =	sadd.s32 s21, s2  }
0x9d: {  	[timem:s6], [sflag:s22] =	dma.local [hbm:s4], s20  }
0x9e: {  	_ =	swait.ge [sflag:s22], s20  }
0x9f: {  	s3 =	ssub.s32 $0x0, s20;
	[sflag:s22] =	ssyncset.done $0x0  }
0xa0: {  	[sflag:s22] =	ssyncadd.s32 s3;
	_ =	sdelay $0x1  }
0xa1: {  	s23 =	simm.s32 $0x1B8B  }
0xa2: {  	_ =	swait.ge [sflag:s23], $0x1  }
0xa3: {  	[sflag:s23] =	ssyncset.done $0x0  }
0xa4: {  	s25 =	simm.s32 $0x1B8E;
	s24 =	sld [smem:$0x3FFE];
	[sflag:s23] =	ssyncadd.s32 $0xFFFFFFFF  }
0xa5: {  	s26 =	simm.s32 $execute0_lowered;
	[smem:$0x3FD2] =	sst s25  }
0xa6: {  	s4 =	sshll.u32 s26, $0x1;
	_ =	strace $0x80000049;
	[dreg:$0x1] =	wrdreg $0xFFFFFFFF  }
0xa7: {  	s28 =	simm.s32 $_size_execute0_lowered;
	s2 =	sadd.s32 s2, s4;
	[dreg:$0x0] =	wrdreg $0x0  }
0xa8: {  	s4 =	sshll.u32 s28, $0x1;
	[dreg:$0x2] =	wrdreg s2  }
0xa9: {  	[dreg:$0x3] =	wrdreg s4  }
0xaa: {  	[dreg:$0x4] =	wrdreg $0xC0  }
0xab: {  	_ =	task [dreg:s6], $0x5FFFF  }
0xac: {  	[dreg:$0x1] =	wrdreg $0xFFFFFFFF  }
0xad: {  	[dreg:$0x0] =	wrdreg $0x60  }
0xae: {  	[dreg:$0x2] =	wrdreg s24  }
0xaf: {  	[dreg:$0x3] =	wrdreg $0x4E200  }
0xb0: {  	[dreg:$0x4] =	wrdreg $0x0  }
0xb1: {  	[dreg:$0x5] =	wrdreg $0x9  }
0xb2: {  	_ =	task.clear_ibuf [dreg:s6], $0x6FFFF;
	_ =	strace $0x90000049  }
0xb3: {  	s29 =	simm.s32 $0x9;
	_ =	strace $0x8000004B  }
0xb4: {  	_ =	swait.ge [sflag:s29], $0x1  }
0xb5: {  	[sflag:s29] =	ssyncadd.s32 $0xFFFFFFFF  }
0xb6: {  	_ =	strace $0x9000004B  }
0xb7: {  	_ =	sfence  }
0xb8: {  	s30 =	sld [smem:$0x0];
	_ =	sdelay $0x2  }
0xb9: {  	s31 =	sshll.u32 s1, $0xD;
	s1 =	sshrl.u32 s1, $0x2  }
0xba: {  	s3 =	sand.u32 $0x4000, s31;
	s1 =	sadd.s32 s1, s30  }
0xbb: {  	s0 =	sor.u32 s3, s0;
	s1 =	sshll.u32 s1, $0x11  }
0xbc: {  	s0 =	sor.u32 s1, s0  }
0xbd: {  	s0 =	sadd.s32 $0x8F2B, s0  }
0xbe: {  	[sflag:s0] =	ssyncadd.remote.s32 $0x1  }
0xbf: {  	_ =	sfence.sel $0xFFFF  }
0xc0: {  	[dreg:$0x0] =	wrdreg $0xFFFFFFFF;
	(pc) =	sbr.abs _section_cstart, $3  }
0xc1: {  	[dreg:$0x1] =	wrdreg $0xFFFFFFFF  }
0xc2: {  	_ =	task.clear_ibuf [dreg:s6], $0x2FFFF;
	_ =	strace $0x9FFFFFFF  }
0xc3: {  	(tm) =	ssettm $0x7FFFFFFF  }
tec
execute0_lowered:
.L_overlay_start_1:
0x0: {  	(tag) =	ssettag $0x1  }
0x1: {  	s0 =	rddreg [dreg:$0x0]  }
0x2: {  	s2 =	rddreg [dreg:$0x1]  }
0x3: {  	s3 =	rddreg [dreg:$0x2];
	s15 =	stileid.u32  }
0x4: {  	s4 =	srdreg.scid;
	s6 =	simm.s32 $0x0;
	s12 =	simm.s32 $0xB  }
0x5: {  	s14 =	simm.s32 $0x9C40;
	s16 =	simm.s32 $0x28;
	s17 =	simm.s32 $0xEA60  }
0x6: {  	s19 =	simm.s32 $0xEF60;
	s28 =	simm.s32 $0x1;
	s29 =	simm.s32 $0x2  }
0x7: {  	s30 =	simm.s32 $0x3;
	s31 =	simm.s32 $0x4;
	s1 =	smul.u32 $0x4E20, s15  }
0x8: {  	s18 =	simm.s32 $0x8;
	s4 =	sand.u32 $0x1, s4;
	s5 =	smul.u32 $0x4E200, s15  }
0x9: {  	[smem:$0x7FF] =	sst s6;
	s23 =	sshll.u32 s15, $0x6;
	s10 =	smul.u32 $0x9C400, s15  }
0xa: {  	p0 =	sgt.u32 s15, $0x1;
	s20 =	sshll.u32 s4, $0x4;
	s7 =	smul.u32 $0x27100, s4  }
0xb: {  	_ =	strace $0x8000004A;
	s4 =	ssub.s32 $0x2, s4;
	s8 =	sshrl.u32 s1, $0x3  }
0xc: {  	s6 =	sor.u32 s15, s20;
	s22 =	sshrl.u32 s4, $0x1;
	s11 =	sadd.s32 s1, s2  }
0xd: {  	s1 =	sadd.s32 s1, s3;
	s26 =	sshrl.u32 s10, $0x2;
	s15 =	simm.s32 $0x7  }
0xe: {  	s20 =	simm.s32 $0x9;
	s6 =	smul.u32 $0x4E2, s6;
	s5 =	sadd.s32 s7, s5  }
0xf: {  	s21 =	sadd.s32 s8, s0;
	s4 =	ssub.s32 s4, s22;
	s11 =	sshrl.u32 s11, $0x3  }
0x10: {  	s13 =	sshrl.u32 s1, $0x3;
	s1 =	simm.s32 $0x6;
	s22 =	simm.s32 $0xA  }
0x11: {  	s5 =	sshrl.u32 s5, $0x3;
	s10 =	smax.u32 s4, $0x1;
	s9 =	sadd.s32 s6, s0  }
0x12: {  	s0 =	sadd.s32 s5, s0;
	s5 =	sadd.s32 $0x14E00, s21;
	s6 =	sor.u32 $0x1C0B, s23  }
0x13: {  	s21 =	simm.s32 $0xF460;
	s23 =	simm.s32 $0xF960;
	s24 =	sadd.s32 $0x1200, s9  }
0x14: {  	s25 =	sadd.s32 $0xB000, s9;
	s9 =	sadd.s32 $0x1EC00, s0;
	[dreg:$0x4] =	wrdreg s24  }
0x15: {  	s0 =	sadd.s32 s26, s3;
	s26 =	simm.s32 $0xFE60;
	[dreg:$0x5] =	wrdreg s25  }
0x16: {  	s25 =	sshrl.u32 @!p0 s0, $0x3;
	s0 =	simm.s32 $0x5;
	s24 =	simm.s32 $0x0  }
.LBB2_1:
0x17: {  	[spmem:s11], [sflag:s6] =	dma.local [hbm:s5], $0x9C4  }
0x18: {  	_ =	swait.ge [sflag:s12], $0x9C4  }
0x19: {  	[sflag:s12] =	ssyncset.done $0x0  }
0x1a: {  	[sflag:s12] =	ssyncadd.s32 $0xFFFFF63C  }
0x1b: {  	[spmem:s13], [sflag:s6] =	dma.local [hbm:s5], $0x9C4  }
0x1c: {  	_ =	swait.ge [sflag:s12], $0x9C4  }
0x1d: {  	[sflag:s12] =	ssyncset.done $0x0  }
0x1e: {  	s4 =	simm.s32 $0x0;
	s7 =	rddreg [dreg:$0x4];
	[sflag:s12] =	ssyncadd.s32 $0xFFFFF63C  }
0x1f: {  	[tilespmem:s14], [sflag:$0xB] =	stream.linear.gather [hbm4b:s7+s4], $0x2710, $0x38;
	[tilespmem:$0x10360] =	vst v63  }
0x20: {  	_ =	swait.ge [sflag:s12], $0x2710  }
0x21: {  	[sflag:s12] =	ssyncset.done $0x0  }
0x22: {  	s8 =	simm.s32 $0xC350;
	s7 =	rddreg [dreg:$0x5];
	[sflag:s12] =	ssyncadd.s32 $0xFFFFD8F0  }
0x23: {  	[tilespmem:s8], [sflag:$0xB] =	stream.linear.gather [hbm4b:s7+s4], $0x2710, $0x38;
	[tilespmem:$0x10360] =	vst v63  }
0x24: {  	_ =	swait.ge [sflag:s12], $0x2710  }
0x25: {  	[sflag:s12] =	ssyncset.done $0x0  }
0x26: {  	[sflag:s12] =	ssyncadd.s32 $0xFFFFD8F0  }
0x27: {  	[bflag:$0x0] =	sbarrier.arrive $0xFFFF  }
0x28: {  	[tilespmem:s17], [sflag:$0x1] =	stream.indirect.gather [spmem:s2], $0x20, s14, s16, $0xb8;
	[tilespmem:$0x10360] =	vst v63  }
0x29: {  	s8 =	simm.s32 $0x9C68  }
0x2a: {  	[tilespmem:s19], [sflag:$0x2] =	stream.indirect.gather [spmem:s2], $0x20, s8, s16, $0xb8;
	[tilespmem:$0x10360] =	vst v63  }
0x2b: {  	s7 =	simm.s32 $0x9C90  }
0x2c: {  	[tilespmem:s21], [sflag:$0x3] =	stream.indirect.gather [spmem:s2], $0x20, s7, s16, $0xb8;
	[tilespmem:$0x10360] =	vst v63  }
0x2d: {  	s8 =	simm.s32 $0x9CB8  }
0x2e: {  	[tilespmem:s23], [sflag:$0x4] =	stream.indirect.gather [spmem:s2], $0x20, s8, s16, $0xb8;
	[tilespmem:$0x10360] =	vst v63  }
0x2f: {  	s7 =	simm.s32 $0x9CE0  }
0x30: {  	[tilespmem:s26], [sflag:$0x5] =	stream.indirect.gather [spmem:s2], $0x20, s7, s16, $0xb8;
	[tilespmem:$0x10360] =	vst v63  }
0x31: {  	_ =	swait.ge [sflag:s28], $0x500  }
0x32: {  	[sflag:s28] =	ssyncset.done $0x0  }
0x33: {  	s8 =	simm.s32 $0xC350;
	[sflag:s28] =	ssyncadd.s32 $0xFFFFFB00  }
0x34: {  	[spmem:s3] =	stream.indirect.scatter.add.f32 [tilespmem:s17], [sflag:$0x6], $0x20, s8, s16, $0xb8;
	[tilespmem:$0x10360] =	vst v63  }
0x35: {  	_ =	swait.ge [sflag:s29], $0x500  }
0x36: {  	[sflag:s29] =	ssyncset.done $0x0  }
0x37: {  	s7 =	simm.s32 $0xC378;
	[sflag:s29] =	ssyncadd.s32 $0xFFFFFB00  }
0x38: {  	[spmem:s3] =	stream.indirect.scatter.add.f32 [tilespmem:s19], [sflag:$0x7], $0x20, s7, s16, $0xb8;
	[tilespmem:$0x10360] =	vst v63  }
0x39: {  	_ =	swait.ge [sflag:s30], $0x500  }
0x3a: {  	[sflag:s30] =	ssyncset.done $0x0  }
0x3b: {  	s8 =	simm.s32 $0xC3A0;
	[sflag:s30] =	ssyncadd.s32 $0xFFFFFB00  }
0x3c: {  	[spmem:s3] =	stream.indirect.scatter.add.f32 [tilespmem:s21], [sflag:$0x8], $0x20, s8, s16, $0xb8;
	[tilespmem:$0x10360] =	vst v63  }
0x3d: {  	_ =	swait.ge [sflag:s31], $0x500  }
0x3e: {  	[sflag:s31] =	ssyncset.done $0x0  }
0x3f: {  	s7 =	simm.s32 $0xC3C8;
	[sflag:s31] =	ssyncadd.s32 $0xFFFFFB00  }
0x40: {  	[spmem:s3] =	stream.indirect.scatter.add.f32 [tilespmem:s23], [sflag:$0x9], $0x20, s7, s16, $0xb8;
	[tilespmem:$0x10360] =	vst v63  }
0x41: {  	_ =	swait.ge [sflag:s0], $0x500  }
0x42: {  	[sflag:s0] =	ssyncset.done $0x0  }
0x43: {  	s8 =	simm.s32 $0xC3F0;
	[sflag:s0] =	ssyncadd.s32 $0xFFFFFB00  }
0x44: {  	[spmem:s3] =	stream.indirect.scatter.add.f32 [tilespmem:s26], [sflag:$0xA], $0x20, s8, s16, $0xb8;
	[tilespmem:$0x10360] =	vst v63  }
0x45: {  	_ =	swait.ge [sflag:s1], $0x500  }
0x46: {  	[sflag:s1] =	ssyncset.done $0x0  }
0x47: {  	s7 =	simm.s32 $0x9D08;
	[sflag:s1] =	ssyncadd.s32 $0xFFFFFB00  }
0x48: {  	[tilespmem:s17], [sflag:$0x1] =	stream.indirect.gather [spmem:s2], $0x20, s7, s16, $0xb8;
	[tilespmem:$0x10360] =	vst v63  }
0x49: {  	_ =	swait.ge [sflag:s15], $0x500  }
0x4a: {  	[sflag:s15] =	ssyncset.done $0x0  }
0x4b: {  	s8 =	simm.s32 $0x9D30;
	[sflag:s15] =	ssyncadd.s32 $0xFFFFFB00  }
0x4c: {  	[tilespmem:s19], [sflag:$0x2] =	stream.indirect.gather [spmem:s2], $0x20, s8, s16, $0xb8;
	[tilespmem:$0x10360] =	vst v63  }
0x4d: {  	_ =	swait.ge [sflag:s18], $0x500  }
0x4e: {  	[sflag:s18] =	ssyncset.done $0x0  }
0x4f: {  	s7 =	simm.s32 $0x9D58;
	[sflag:s18] =	ssyncadd.s32 $0xFFFFFB00  }
0x50: {  	[tilespmem:s21], [sflag:$0x3] =	stream.indirect.gather [spmem:s2], $0x20, s7, s16, $0xb8;
	[tilespmem:$0x10360] =	vst v63  }
0x51: {  	_ =	swait.ge [sflag:s20], $0x500  }
0x52: {  	[sflag:s20] =	ssyncset.done $0x0  }
0x53: {  	s8 =	simm.s32 $0x9D80;
	[sflag:s20] =	ssyncadd.s32 $0xFFFFFB00  }
0x54: {  	[tilespmem:s23], [sflag:$0x4] =	stream.indirect.gather [spmem:s2], $0x20, s8, s16, $0xb8;
	[tilespmem:$0x10360] =	vst v63  }
0x55: {  	_ =	swait.ge [sflag:s22], $0x500  }
0x56: {  	[sflag:s22] =	ssyncset.done $0x0  }
0x57: {  	s4 =	simm.s32 $0x320;
	s7 =	simm.s32 $0x9DA8;
	[sflag:s22] =	ssyncadd.s32 $0xFFFFFB00  }
.LBB2_2:
0x58: {  	[tilespmem:s26], [sflag:$0x5] =	stream.indirect.gather [spmem:s2], $0x20, s7, s16, $0xb8;
	[tilespmem:$0x10360] =	vst v63  }
0x59: {  	s7 =	smov.u32 s4  }
0x5a: {  	p1 =	sne.s32 s4, $0x9600;
	s4 =	sadd.s32 $0x320, s4;
	_ =	swait.ge [sflag:s28], $0x500  }
0x5b: {  	s7 =	sshra.s32 s7, $0x2;
	[sflag:s28] =	ssyncset.done $0x0  }
0x5c: {  	s8 =	sadd.s32 $0xC350, s7;
	[sflag:s28] =	ssyncadd.s32 $0xFFFFFB00  }
0x5d: {  	[spmem:s3] =	stream.indirect.scatter.add.f32 [tilespmem:s17], [sflag:$0x6], $0x20, s8, s16, $0xb8;
	[tilespmem:$0x10360] =	vst v63  }
0x5e: {  	_ =	swait.ge [sflag:s29], $0x500  }
0x5f: {  	[sflag:s29] =	ssyncset.done $0x0  }
0x60: {  	s8 =	sadd.s32 $0xC378, s7;
	[sflag:s29] =	ssyncadd.s32 $0xFFFFFB00  }
0x61: {  	[spmem:s3] =	stream.indirect.scatter.add.f32 [tilespmem:s19], [sflag:$0x7], $0x20, s8, s16, $0xb8;
	[tilespmem:$0x10360] =	vst v63  }
0x62: {  	_ =	swait.ge [sflag:s30], $0x500  }
0x63: {  	[sflag:s30] =	ssyncset.done $0x0  }
0x64: {  	s8 =	sadd.s32 $0xC3A0, s7;
	[sflag:s30] =	ssyncadd.s32 $0xFFFFFB00  }
0x65: {  	[spmem:s3] =	stream.indirect.scatter.add.f32 [tilespmem:s21], [sflag:$0x8], $0x20, s8, s16, $0xb8;
	[tilespmem:$0x10360] =	vst v63  }
0x66: {  	_ =	swait.ge [sflag:s31], $0x500  }
0x67: {  	[sflag:s31] =	ssyncset.done $0x0  }
0x68: {  	s8 =	sadd.s32 $0xC3C8, s7;
	[sflag:s31] =	ssyncadd.s32 $0xFFFFFB00  }
0x69: {  	[spmem:s3] =	stream.indirect.scatter.add.f32 [tilespmem:s23], [sflag:$0x9], $0x20, s8, s16, $0xb8;
	[tilespmem:$0x10360] =	vst v63  }
0x6a: {  	_ =	swait.ge [sflag:s0], $0x500  }
0x6b: {  	[sflag:s0] =	ssyncset.done $0x0  }
0x6c: {  	s8 =	sadd.s32 $0xC3F0, s7;
	[sflag:s0] =	ssyncadd.s32 $0xFFFFFB00  }
0x6d: {  	[spmem:s3] =	stream.indirect.scatter.add.f32 [tilespmem:s26], [sflag:$0xA], $0x20, s8, s16, $0xb8;
	[tilespmem:$0x10360] =	vst v63  }
0x6e: {  	_ =	swait.ge [sflag:s1], $0x500  }
0x6f: {  	[sflag:s1] =	ssyncset.done $0x0  }
0x70: {  	s8 =	sadd.s32 $0x9D08, s7;
	[sflag:s1] =	ssyncadd.s32 $0xFFFFFB00  }
0x71: {  	[tilespmem:s17], [sflag:$0x1] =	stream.indirect.gather [spmem:s2], $0x20, s8, s16, $0xb8;
	[tilespmem:$0x10360] =	vst v63  }
0x72: {  	_ =	swait.ge [sflag:s15], $0x500  }
0x73: {  	[sflag:s15] =	ssyncset.done $0x0  }
0x74: {  	s8 =	sadd.s32 $0x9D30, s7;
	[sflag:s15] =	ssyncadd.s32 $0xFFFFFB00  }
0x75: {  	[tilespmem:s19], [sflag:$0x2] =	stream.indirect.gather [spmem:s2], $0x20, s8, s16, $0xb8;
	[tilespmem:$0x10360] =	vst v63  }
0x76: {  	_ =	swait.ge [sflag:s18], $0x500  }
0x77: {  	[sflag:s18] =	ssyncset.done $0x0  }
0x78: {  	s8 =	sadd.s32 $0x9D58, s7;
	[sflag:s18] =	ssyncadd.s32 $0xFFFFFB00  }
0x79: {  	[tilespmem:s21], [sflag:$0x3] =	stream.indirect.gather [spmem:s2], $0x20, s8, s16, $0xb8;
	[tilespmem:$0x10360] =	vst v63  }
0x7a: {  	_ =	swait.ge [sflag:s20], $0x500  }
0x7b: {  	[sflag:s20] =	ssyncset.done $0x0  }
.Ltmp0:
0x7c: {  	s8 =	sadd.s32 $0x9D80, s7;
	[sflag:s20] =	ssyncadd.s32 $0xFFFFFB00;
	(pc) =	sbr.rel @p1 .LBB2_2-.Ltmp0, $4  }
0x7d: {  	[tilespmem:s23], [sflag:$0x4] =	stream.indirect.gather [spmem:s2], $0x20, s8, s16, $0xb8;
	[tilespmem:$0x10360] =	vst v63  }
0x7e: {  	_ =	swait.ge [sflag:s22], $0x500  }
0x7f: {  	[sflag:s22] =	ssyncset.done $0x0  }
0x80: {  	s7 =	sadd.s32 $0x9DA8, s7;
	[sflag:s22] =	ssyncadd.s32 $0xFFFFFB00  }
0x81: {  	[tilespmem:s26], [sflag:$0x5] =	stream.indirect.gather [spmem:s2], $0x20, s7, s16, $0xb8;
	[tilespmem:$0x10360] =	vst v63  }
0x82: {  	_ =	swait.ge [sflag:s28], $0x500  }
0x83: {  	[sflag:s28] =	ssyncset.done $0x0  }
0x84: {  	s4 =	simm.s32 $0xE998;
	[sflag:s28] =	ssyncadd.s32 $0xFFFFFB00  }
0x85: {  	[spmem:s3] =	stream.indirect.scatter.add.f32 [tilespmem:s17], [sflag:$0x6], $0x20, s4, s16, $0xb8;
	[tilespmem:$0x10360] =	vst v63  }
0x86: {  	_ =	swait.ge [sflag:s29], $0x500  }
0x87: {  	[sflag:s29] =	ssyncset.done $0x0  }
0x88: {  	s7 =	simm.s32 $0xE9C0;
	[sflag:s29] =	ssyncadd.s32 $0xFFFFFB00  }
0x89: {  	[spmem:s3] =	stream.indirect.scatter.add.f32 [tilespmem:s19], [sflag:$0x7], $0x20, s7, s16, $0xb8;
	[tilespmem:$0x10360] =	vst v63  }
0x8a: {  	_ =	swait.ge [sflag:s30], $0x500  }
0x8b: {  	[sflag:s30] =	ssyncset.done $0x0  }
0x8c: {  	s8 =	simm.s32 $0xE9E8;
	[sflag:s30] =	ssyncadd.s32 $0xFFFFFB00  }
0x8d: {  	[spmem:s3] =	stream.indirect.scatter.add.f32 [tilespmem:s21], [sflag:$0x8], $0x20, s8, s16, $0xb8;
	[tilespmem:$0x10360] =	vst v63  }
0x8e: {  	_ =	swait.ge [sflag:s31], $0x500  }
0x8f: {  	[sflag:s31] =	ssyncset.done $0x0  }
0x90: {  	s7 =	simm.s32 $0xEA10;
	[sflag:s31] =	ssyncadd.s32 $0xFFFFFB00  }
0x91: {  	[spmem:s3] =	stream.indirect.scatter.add.f32 [tilespmem:s23], [sflag:$0x9], $0x20, s7, s16, $0xb8;
	[tilespmem:$0x10360] =	vst v63  }
0x92: {  	_ =	swait.ge [sflag:s0], $0x500  }
0x93: {  	[sflag:s0] =	ssyncset.done $0x0  }
0x94: {  	s8 =	simm.s32 $0xEA38;
	[sflag:s0] =	ssyncadd.s32 $0xFFFFFB00  }
0x95: {  	[spmem:s3] =	stream.indirect.scatter.add.f32 [tilespmem:s26], [sflag:$0xA], $0x20, s8, s16, $0xb8;
	[tilespmem:$0x10360] =	vst v63  }
0x96: {  	_ =	swait.ge [sflag:s1], $0x500  }
0x97: {  	[sflag:s1] =	ssyncset.done $0x0  }
0x98: {  	[sflag:s1] =	ssyncadd.s32 $0xFFFFFB00  }
0x99: {  	_ =	swait.ge [sflag:s15], $0x500  }
0x9a: {  	[sflag:s15] =	ssyncset.done $0x0  }
0x9b: {  	[sflag:s15] =	ssyncadd.s32 $0xFFFFFB00  }
0x9c: {  	_ =	swait.ge [sflag:s18], $0x500  }
0x9d: {  	[sflag:s18] =	ssyncset.done $0x0  }
0x9e: {  	[sflag:s18] =	ssyncadd.s32 $0xFFFFFB00  }
0x9f: {  	_ =	swait.ge [sflag:s20], $0x500  }
0xa0: {  	[sflag:s20] =	ssyncset.done $0x0  }
0xa1: {  	[sflag:s20] =	ssyncadd.s32 $0xFFFFFB00  }
0xa2: {  	_ =	swait.ge [sflag:s22], $0x500  }
0xa3: {  	s24 =	sadd.s32 $0x1, s24;
	[sflag:s22] =	ssyncset.done $0x0  }
0xa4: {  	p1 =	sne.s32 s24, s10;
	[sflag:s22] =	ssyncadd.s32 $0xFFFFFB00  }
.Ltmp1:
0xa5: {  	s4 =	simm.s32 @!p0 $0xB;
	[bflag:$0x0] =	sbarrier.arrive $0xFFFF;
	(pc) =	sbr.rel @p1 .LBB2_1-.Ltmp1, $4  }
0xa6: {  	[hbm:s9], [sflag:s6] =	dma.local @!p0 [spmem:s25], $0x4E20  }
0xa7: {  	_ =	swait.ge @!p0 [sflag:s4], $0x4E20  }
0xa8: {  	[sflag:s4] =	ssyncset.done @!p0 $0x0  }
0xa9: {  	[sflag:s4] =	ssyncadd.s32 @!p0 $0xFFFFB1E0  }
0xaa: {  	_ =	sfence.sel $0x180000  }
0xab: {  	[bflag:$0x0] =	sbarrier.arrive $0xFFFF  }
0xac: {  	_ =	strace $0x9000004A  }
0xad: {  	s0 =	stileid.u32;
	[bflag:$0x2] =	sbarrier.arrive $0xFFFF  }
0xae: {  	p0 =	sne.s32 s0, $0x0;
	s0 =	rddreg [dreg:$0x3]  }
0xaf: {  	s0 =	sadd.s32 @!p0 $0x100000, s0  }
0xb0: {  	[sflag:s0] =	ssyncadd.tile.s32 @!p0 $0x1;
	_ =	shalt  }
.Lfunc_end2:
_tile_overlayer_lowered:
.L_overlay_start_2:
0xb1: {  	(tag) =	ssettag $0x2  }
0xb2: {  	s0 =	rddreg [dreg:$0x0];
	s2 =	stileid.u32  }
0xb3: {  	s1 =	rddreg [dreg:$0x1];
	p0 =	sne.s32 s2, $0x0  }
0xb4: {  	s3 =	rddreg [dreg:$0x2];
	[bflag:$0x3] =	sbarrier.arrive $0xFFFF;
	s2 =	simm.s32 @!p0 $0x1C0B  }
0xb5: {  	[timem:s3], [sflag:s2] =	dma.local @!p0 [hbm:s0], s1  }
0xb6: {  	s0 =	simm.s32 @!p0 $0xB  }
0xb7: {  	_ =	swait.ge @!p0 [sflag:s0], s1  }
0xb8: {  	s1 =	ssub.s32 @!p0 $0x0, s1;
	[sflag:s0] =	ssyncset.done @!p0 $0x0  }
0xb9: {  	[sflag:s0] =	ssyncadd.s32 @!p0 s1  }
0xba: {  	[bflag:$0x3] =	sbarrier.arrive $0xFFFF  }
0xbb: {  	_ =	shalt  }

// kernel: kernel.15.cloned.1.call-start
scs
__scs_entry_jumppad:
0x0: {  	(pc) =	sbr.rel $0x88, $3  }
0x1: {  	(tag) =	ssettag $0x0;
	lr =	simm.s32 $0x1  }
0x2: {  	[smem:$0x3F99] =	sst lr;
	_ =	strace $0xD0000000  }
0x3: {  	_ = 	snop  }
0x4: {  	_ = 	snop  }
0x5: {  	_ = 	snop  }
0x6: {  	_ = 	snop  }
0x7: {  	_ = 	snop  }
__scs_overlays_trampoline_lowered:
0x8: {  	[smem:$0x3FA8] =	sst s0  }
0x9: {  	[smem:$0x3FA9] =	sst s1  }
0xa: {  	[smem:$0x3FAA] =	sst s2  }
0xb: {  	[smem:$0x3FAB] =	sst s3  }
0xc: {  	[smem:$0x3FAC] =	sst s4  }
0xd: {  	[smem:$0x3FAD] =	sst s5  }
0xe: {  	[smem:$0x3FAE] =	sst s6  }
0xf: {  	[smem:$0x3FAF] =	sst s7  }
0x10: {  	[smem:$0x3FB0] =	sst s8  }
0x11: {  	[smem:$0x3FB1] =	sst s9;
	s0 =	simm.s32 @!p0 $0x0  }
0x12: {  	s1 =	sld [smem:$0x3F97];
	s0 =	simm.s32 @p0 $0x1  }
0x13: {  	[smem:$0x3FB2] =	sst s0;
	s0 =	simm.s32 @!p1 $0x0  }
0x14: {  	s2 =	sld [smem:$0x3F96];
	s0 =	simm.s32 @p1 $0x1  }
0x15: {  	[smem:$0x3FB3] =	sst s0;
	s0 =	simm.s32 @!p2 $0x0  }
0x16: {  	s3 =	sld [smem:$0x3FDB];
	s0 =	simm.s32 @p2 $0x1  }
0x17: {  	s4 =	simm.s32 $0x1BF5;
	[smem:$0x3FB5] =	sst s0  }
0x18: {  	s0 =	sld [smem:$0x3F98];
	_ =	swait.ge [sflag:s4], $0x0  }
0x19: {  	s7 =	sld [smem:$0x3F99]  }
0x1a: {  	s8 =	sadd.s32 $0xFFFFE003, lr  }
0x1b: {  	s9 =	sadd.s32 $0xFFFFFEF7, lr;
	s5 =	simm.s32 $0xFFFFFFFF;
	p2 =	slt.u32 s8, $0xFFFFF086  }
0x1c: {  	p1 =	slt.u32 s9, $0xF7A;
	s5 =	simm.s32 @!p2 $0x0  }
0x1d: {  	s5 =	simm.s32 @p1 $0x1;
	p0 =	seq.s32 s7, s2  }
0x1e: {  	s7 =	smul.u32 @!p0 $0xF7A, s2;
	p2 =	seq.s32 @!p0 s5, $0x0  }
0x1f: {  	s9 =	smul.u32 $0xF7A, s1;
	s8 =	simm.s32 @!p0 $0x1BF5;
	p2 =	por !p2, p0  }
0x20: {  	[sflag:s8] =	ssyncset.s32 @!p0 $0xFFFFF086;
	s6 =	sadd.s32 @!p0 s3, s7;
	s7 =	simm.s32 @!p0 $0x108  }
0x21: {  	s3 =	sadd.s32 s3, s9;
	s6 =	sadd.s32 @!p0 $0x88, s6;
	s7 =	simm.s32 @p2 $0x1082  }
0x22: {  	[simem:s7], [sflag:s8] =	dma.local @!p0 [hbm:s6], $0xF7A  }
0x23: {  	s9 =	sor.u32 $0xD0000000, s2;
	s6 =	simm.s32 $0x108;
	_ =	swait.ge @!p0 [sflag:s8], $0x0  }
0x24: {  	s3 =	sadd.s32 $0x88, s3;
	s6 =	simm.s32 @!p1 $0x1082;
	[sflag:s4] =	ssyncset.s32 $0xFFFFF086  }
0x25: {  	[simem:s6], [sflag:s4] =	dma.local [hbm:s3], $0xF7A  }
0x26: {  	[smem:$0x3F99] =	sst s1;
	(tag) =	ssettag s2;
	_ =	strace s9  }
0x27: {  	s1 =	sld [smem:$0x3FA9]  }
0x28: {  	s2 =	sld [smem:$0x3FAA]  }
0x29: {  	s4 =	sld [smem:$0x3FAC]  }
0x2a: {  	p0 =	seq.s32 s5, $0x0;
	s5 =	sld [smem:$0x3FAD]  }
0x2b: {  	s6 =	sld [smem:$0x3FAE]  }
0x2c: {  	s7 =	sld [smem:$0x3FAF]  }
0x2d: {  	s3 =	simm.s32 $0x108;
	s8 =	sld [smem:$0x3FB0]  }
0x2e: {  	s3 =	simm.s32 @!p0 $0x1082;
	s9 =	sld [smem:$0x3FB1]  }
0x2f: {  	lr =	sadd.s32 s0, s3;
	s0 =	sld [smem:$0x3FA8]  }
0x30: {  	s3 =	sld [smem:$0x3FAB]  }
0x31: {  	[smem:$0x3FB4] =	sst s10  }
0x32: {  	s10 =	sld [smem:$0x3FB2];
	_ =	sdelay $0x3  }
0x33: {  	p0 =	seq.s32 s10, $0x1;
	s10 =	sld [smem:$0x3FB4];
	_ =	sdelay $0x3  }
0x34: {  	[smem:$0x3FB4] =	sst s10  }
0x35: {  	s10 =	sld [smem:$0x3FB3];
	_ =	sdelay $0x3  }
0x36: {  	p1 =	seq.s32 s10, $0x1;
	s10 =	sld [smem:$0x3FB4];
	_ =	sdelay $0x3  }
0x37: {  	[smem:$0x3FB4] =	sst s10  }
0x38: {  	s10 =	sld [smem:$0x3FB5]  }
0x39: {  	_ = 	snop;
	(pc) =	sbr.ind lr, $3  }
0x3a: {  	_ = 	snop  }
0x3b: {  	_ = 	snop  }
0x3c: {  	p2 =	seq.s32 s10, $0x1;
	s10 =	sld [smem:$0x3FB4]  }
0x3d: {  	_ =	shalt  }
0x3e: {  	_ =	shalt  }
0x3f: {  	_ =	shalt  }
0x40: {  	_ =	shalt  }
0x41: {  	_ =	shalt  }
0x42: {  	_ =	shalt  }
0x43: {  	_ =	shalt  }
0x44: {  	_ =	shalt  }
0x45: {  	_ =	shalt  }
0x46: {  	_ =	shalt  }
0x47: {  	_ =	shalt  }
0x48: {  	_ =	shalt  }
0x49: {  	_ =	shalt  }
0x4a: {  	_ =	shalt  }
0x4b: {  	_ =	shalt  }
0x4c: {  	_ =	shalt  }
0x4d: {  	_ =	shalt  }
0x4e: {  	_ =	shalt  }
0x4f: {  	_ =	shalt  }
0x50: {  	_ =	shalt  }
0x51: {  	_ =	shalt  }
0x52: {  	_ =	shalt  }
0x53: {  	_ =	shalt  }
0x54: {  	_ =	shalt  }
0x55: {  	_ =	shalt  }
0x56: {  	_ =	shalt  }
0x57: {  	_ =	shalt  }
0x58: {  	_ =	shalt  }
0x59: {  	_ =	shalt  }
0x5a: {  	_ =	shalt  }
0x5b: {  	_ =	shalt  }
0x5c: {  	_ =	shalt  }
0x5d: {  	_ =	shalt  }
0x5e: {  	_ =	shalt  }
0x5f: {  	_ =	shalt  }
0x60: {  	_ =	shalt  }
0x61: {  	_ =	shalt  }
0x62: {  	_ =	shalt  }
0x63: {  	_ =	shalt  }
0x64: {  	_ =	shalt  }
0x65: {  	_ =	shalt  }
0x66: {  	_ =	shalt  }
0x67: {  	_ =	shalt  }
0x68: {  	_ =	shalt  }
0x69: {  	_ =	shalt  }
0x6a: {  	_ =	shalt  }
0x6b: {  	_ =	shalt  }
0x6c: {  	_ =	shalt  }
0x6d: {  	_ =	shalt  }
0x6e: {  	_ =	shalt  }
0x6f: {  	_ =	shalt  }
0x70: {  	_ =	shalt  }
0x71: {  	_ =	shalt  }
0x72: {  	_ =	shalt  }
0x73: {  	_ =	shalt  }
0x74: {  	_ =	shalt  }
0x75: {  	_ =	shalt  }
0x76: {  	_ =	shalt  }
0x77: {  	_ =	shalt  }
0x78: {  	_ =	shalt  }
0x79: {  	_ =	shalt  }
0x7a: {  	_ =	shalt  }
0x7b: {  	_ =	shalt  }
0x7c: {  	_ =	shalt  }
0x7d: {  	_ =	shalt  }
0x7e: {  	_ =	shalt  }
0x7f: {  	_ =	shalt  }
0x80: {  	_ =	shalt  }
0x81: {  	_ =	shalt  }
0x82: {  	_ =	shalt  }
0x83: {  	_ =	shalt  }
0x84: {  	_ =	shalt  }
0x85: {  	_ =	shalt  }
0x86: {  	_ =	shalt  }
0x87: {  	_ =	shalt  }
.Lfunc_end0:
.L_simem_size_0:
called_computation.2_lowered:
.L_overlay_start_0:
0x88: {  	s2 =	sld [smem:$0x3FD9]  }
0x89: {  	s3 =	sld [smem:$0x3FFE];
	_ =	sdelay $0x1  }
0x8a: {  	s1 =	srdreg.scid  }
0x8b: {  	s0 =	sand.u32 $0x1, s1  }
0x8c: {  	s16 =	sshll.u32 s0, $0xA;
	s2 =	sadd.s32 s3, s2  }
0x8d: {  	s2 =	sadd.s32 s2, s16  }
0x8e: {  	[smem:$0x3FC0] =	sst s2  }
0x8f: {  	_ = 	snop  }
0x90: {  	(tm) =	ssettm $0x1  }
0x91: {  	s17 =	sld [smem:$0x3FFB];
	_ =	sdelay $0x3  }
0x92: {  	_ =	strace s17  }
0x93: {  	s2 =	sld [smem:$0x3FFC];
	_ =	sdelay $0x3  }
0x94: {  	_ =	strace s2  }
0x95: {  	s2 =	sld [smem:$0x3FFD];
	_ =	sdelay $0x3  }
0x96: {  	_ =	strace s2  }
0x97: {  	_ =	strace $0x8FFFFFFF  }
0x98: {  	s18 =	sld [smem:$0x3FDB];
	_ =	sdelay $0x1  }
0x99: {  	s19 =	simm.s32 $_scs_section_size  }
0x9a: {  	s4 =	simm.s32 $_size__tile_overlayer_lowered;
	s5 =	simm.s32 $_tile_overlayer_lowered  }
0x9b: {  	s22 =	simm.s32 $0x1BFF;
	s21 =	sshll.u32 s5, $0x1;
	s2 =	sadd.s32 s19, s18  }
0x9c: {  	s6 =	simm.s32 $0x0;
	s20 =	sshll.u32 s4, $0x1;
	s4 =	sadd.s32 s21, s2  }
0x9d: {  	[timem:s6], [sflag:s22] =	dma.local [hbm:s4], s20  }
0x9e: {  	_ =	swait.ge [sflag:s22], s20  }
0x9f: {  	s3 =	ssub.s32 $0x0, s20;
	[sflag:s22] =	ssyncset.done $0x0  }
0xa0: {  	[sflag:s22] =	ssyncadd.s32 s3;
	_ =	sdelay $0x1  }
0xa1: {  	s23 =	simm.s32 $0x1B8B  }
0xa2: {  	_ =	swait.ge [sflag:s23], $0x1  }
0xa3: {  	[sflag:s23] =	ssyncset.done $0x0  }
0xa4: {  	s25 =	simm.s32 $0x1B8E;
	s24 =	sld [smem:$0x3FFE];
	[sflag:s23] =	ssyncadd.s32 $0xFFFFFFFF  }
0xa5: {  	s26 =	simm.s32 $execute0_lowered;
	[smem:$0x3FD2] =	sst s25  }
0xa6: {  	s4 =	sshll.u32 s26, $0x1;
	_ =	strace $0x8000004C;
	[dreg:$0x1] =	wrdreg $0xFFFFFFFF  }
0xa7: {  	s28 =	simm.s32 $_size_execute0_lowered;
	s2 =	sadd.s32 s2, s4;
	[dreg:$0x0] =	wrdreg $0x0  }
0xa8: {  	s4 =	sshll.u32 s28, $0x1;
	[dreg:$0x2] =	wrdreg s2  }
0xa9: {  	[dreg:$0x3] =	wrdreg s4  }
0xaa: {  	[dreg:$0x4] =	wrdreg $0xC0  }
0xab: {  	_ =	task [dreg:s6], $0x5FFFF  }
0xac: {  	[dreg:$0x1] =	wrdreg $0xFFFFFFFF  }
0xad: {  	[dreg:$0x0] =	wrdreg $0x60  }
0xae: {  	[dreg:$0x2] =	wrdreg s24  }
0xaf: {  	[dreg:$0x3] =	wrdreg $0x27100  }
0xb0: {  	[dreg:$0x4] =	wrdreg $0x0  }
0xb1: {  	[dreg:$0x5] =	wrdreg $0x9  }
0xb2: {  	_ =	task.clear_ibuf [dreg:s6], $0x6FFFF;
	_ =	strace $0x9000004C  }
0xb3: {  	s29 =	simm.s32 $0x9;
	_ =	strace $0x8000004E  }
0xb4: {  	_ =	swait.ge [sflag:s29], $0x1  }
0xb5: {  	[sflag:s29] =	ssyncadd.s32 $0xFFFFFFFF  }
0xb6: {  	_ =	strace $0x9000004E  }
0xb7: {  	_ =	sfence  }
0xb8: {  	s30 =	sld [smem:$0x0];
	_ =	sdelay $0x2  }
0xb9: {  	s31 =	sshll.u32 s1, $0xD;
	s1 =	sshrl.u32 s1, $0x2  }
0xba: {  	s3 =	sand.u32 $0x4000, s31;
	s1 =	sadd.s32 s1, s30  }
0xbb: {  	s0 =	sor.u32 s3, s0;
	s1 =	sshll.u32 s1, $0x11  }
0xbc: {  	s0 =	sor.u32 s1, s0  }
0xbd: {  	s0 =	sadd.s32 $0x8F2B, s0  }
0xbe: {  	[sflag:s0] =	ssyncadd.remote.s32 $0x1  }
0xbf: {  	_ =	sfence.sel $0xFFFF  }
0xc0: {  	[dreg:$0x0] =	wrdreg $0xFFFFFFFF;
	(pc) =	sbr.abs _section_cstart, $3  }
0xc1: {  	[dreg:$0x1] =	wrdreg $0xFFFFFFFF  }
0xc2: {  	_ =	task.clear_ibuf [dreg:s6], $0x2FFFF;
	_ =	strace $0x9FFFFFFF  }
0xc3: {  	(tm) =	ssettm $0x7FFFFFFF  }
tec
execute0_lowered:
.L_overlay_start_1:
0x0: {  	(tag) =	ssettag $0x1  }
0x1: {  	s0 =	rddreg [dreg:$0x0]  }
0x2: {  	s2 =	rddreg [dreg:$0x1]  }
0x3: {  	s3 =	rddreg [dreg:$0x2];
	s15 =	stileid.u32  }
0x4: {  	s4 =	srdreg.scid;
	s6 =	simm.s32 $0x0;
	s12 =	simm.s32 $0xB  }
0x5: {  	s14 =	simm.s32 $0x4E20;
	s16 =	simm.s32 $0x28;
	s17 =	simm.s32 $0x9C40  }
0x6: {  	s19 =	simm.s32 $0x9EC0;
	s28 =	simm.s32 $0x1;
	s29 =	simm.s32 $0x2  }
0x7: {  	s30 =	simm.s32 $0x3;
	s31 =	simm.s32 $0x4;
	s1 =	smul.u32 $0x2710, s15  }
0x8: {  	s18 =	simm.s32 $0x8;
	s4 =	sand.u32 $0x1, s4;
	s5 =	smul.u32 $0x27100, s15  }
0x9: {  	[smem:$0x7FF] =	sst s6;
	s23 =	sshll.u32 s15, $0x6;
	s10 =	smul.u32 $0x4E200, s15  }
0xa: {  	p0 =	sgt.u32 s15, $0x1;
	s20 =	sshll.u32 s4, $0x4;
	s7 =	smul.u32 $0x13880, s4  }
0xb: {  	_ =	strace $0x8000004D;
	s4 =	ssub.s32 $0x2, s4;
	s8 =	sshrl.u32 s1, $0x3  }
0xc: {  	s6 =	sor.u32 s15, s20;
	s22 =	sshrl.u32 s4, $0x1;
	s11 =	sadd.s32 s1, s2  }
0xd: {  	s1 =	sadd.s32 s1, s3;
	s26 =	sshrl.u32 s10, $0x2;
	s15 =	simm.s32 $0x7  }
0xe: {  	s20 =	simm.s32 $0x9;
	s6 =	smul.u32 $0x4E2, s6;
	s5 =	sadd.s32 s7, s5  }
0xf: {  	s21 =	sadd.s32 s8, s0;
	s4 =	ssub.s32 s4, s22;
	s11 =	sshrl.u32 s11, $0x3  }
0x10: {  	s13 =	sshrl.u32 s1, $0x3;
	s1 =	simm.s32 $0x6;
	s22 =	simm.s32 $0xA  }
0x11: {  	s5 =	sshrl.u32 s5, $0x3;
	s10 =	smax.u32 s4, $0x1;
	s9 =	sadd.s32 s6, s0  }
0x12: {  	s0 =	sadd.s32 s5, s0;
	s5 =	sadd.s32 $0x14E00, s21;
	s6 =	sor.u32 $0x1C0B, s23  }
0x13: {  	s21 =	simm.s32 $0xA140;
	s23 =	simm.s32 $0xA3C0;
	s24 =	sadd.s32 $0x1200, s9  }
0x14: {  	s25 =	sadd.s32 $0xB000, s9;
	s9 =	sadd.s32 $0x19E00, s0;
	[dreg:$0x4] =	wrdreg s24  }
0x15: {  	s0 =	sadd.s32 s26, s3;
	s26 =	simm.s32 $0xA640;
	[dreg:$0x5] =	wrdreg s25  }
0x16: {  	s25 =	sshrl.u32 @!p0 s0, $0x3;
	s0 =	simm.s32 $0x5;
	s24 =	simm.s32 $0x0  }
.LBB2_1:
0x17: {  	[spmem:s11], [sflag:s6] =	dma.local [hbm:s5], $0x4E2  }
0x18: {  	_ =	swait.ge [sflag:s12], $0x4E2  }
0x19: {  	[sflag:s12] =	ssyncset.done $0x0  }
0x1a: {  	[sflag:s12] =	ssyncadd.s32 $0xFFFFFB1E  }
0x1b: {  	[spmem:s13], [sflag:s6] =	dma.local [hbm:s5], $0x4E2  }
0x1c: {  	_ =	swait.ge [sflag:s12], $0x4E2  }
0x1d: {  	[sflag:s12] =	ssyncset.done $0x0  }
0x1e: {  	s4 =	simm.s32 $0x0;
	s7 =	rddreg [dreg:$0x4];
	[sflag:s12] =	ssyncadd.s32 $0xFFFFFB1E  }
0x1f: {  	[tilespmem:s14], [sflag:$0xB] =	stream.linear.gather [hbm4b:s7+s4], $0x2710, $0x38;
	[tilespmem:$0xA8C0] =	vst v63  }
0x20: {  	_ =	swait.ge [sflag:s12], $0x2710  }
0x21: {  	[sflag:s12] =	ssyncset.done $0x0  }
0x22: {  	s8 =	simm.s32 $0x7530;
	s7 =	rddreg [dreg:$0x5];
	[sflag:s12] =	ssyncadd.s32 $0xFFFFD8F0  }
0x23: {  	[tilespmem:s8], [sflag:$0xB] =	stream.linear.gather [hbm4b:s7+s4], $0x2710, $0x38;
	[tilespmem:$0xA8C0] =	vst v63  }
0x24: {  	_ =	swait.ge [sflag:s12], $0x2710  }
0x25: {  	[sflag:s12] =	ssyncset.done $0x0  }
0x26: {  	[sflag:s12] =	ssyncadd.s32 $0xFFFFD8F0  }
0x27: {  	[bflag:$0x0] =	sbarrier.arrive $0xFFFF  }
0x28: {  	[tilespmem:s17], [sflag:$0x1] =	stream.indirect.gather [spmem:s2], $0x10, s14, s16, $0xb8;
	[tilespmem:$0xA8C0] =	vst v63  }
0x29: {  	s8 =	simm.s32 $0x4E48  }
0x2a: {  	[tilespmem:s19], [sflag:$0x2] =	stream.indirect.gather [spmem:s2], $0x10, s8, s16, $0xb8;
	[tilespmem:$0xA8C0] =	vst v63  }
0x2b: {  	s7 =	simm.s32 $0x4E70  }
0x2c: {  	[tilespmem:s21], [sflag:$0x3] =	stream.indirect.gather [spmem:s2], $0x10, s7, s16, $0xb8;
	[tilespmem:$0xA8C0] =	vst v63  }
0x2d: {  	s8 =	simm.s32 $0x4E98  }
0x2e: {  	[tilespmem:s23], [sflag:$0x4] =	stream.indirect.gather [spmem:s2], $0x10, s8, s16, $0xb8;
	[tilespmem:$0xA8C0] =	vst v63  }
0x2f: {  	s7 =	simm.s32 $0x4EC0  }
0x30: {  	[tilespmem:s26], [sflag:$0x5] =	stream.indirect.gather [spmem:s2], $0x10, s7, s16, $0xb8;
	[tilespmem:$0xA8C0] =	vst v63  }
0x31: {  	_ =	swait.ge [sflag:s28], $0x280  }
0x32: {  	[sflag:s28] =	ssyncset.done $0x0  }
0x33: {  	s8 =	simm.s32 $0x7530;
	[sflag:s28] =	ssyncadd.s32 $0xFFFFFD80  }
0x34: {  	[spmem:s3] =	stream.indirect.scatter.add.f32 [tilespmem:s17], [sflag:$0x6], $0x10, s8, s16, $0xb8;
	[tilespmem:$0xA8C0] =	vst v63  }
0x35: {  	_ =	swait.ge [sflag:s29], $0x280  }
0x36: {  	[sflag:s29] =	ssyncset.done $0x0  }
0x37: {  	s7 =	simm.s32 $0x7558;
	[sflag:s29] =	ssyncadd.s32 $0xFFFFFD80  }
0x38: {  	[spmem:s3] =	stream.indirect.scatter.add.f32 [tilespmem:s19], [sflag:$0x7], $0x10, s7, s16, $0xb8;
	[tilespmem:$0xA8C0] =	vst v63  }
0x39: {  	_ =	swait.ge [sflag:s30], $0x280  }
0x3a: {  	[sflag:s30] =	ssyncset.done $0x0  }
0x3b: {  	s8 =	simm.s32 $0x7580;
	[sflag:s30] =	ssyncadd.s32 $0xFFFFFD80  }
0x3c: {  	[spmem:s3] =	stream.indirect.scatter.add.f32 [tilespmem:s21], [sflag:$0x8], $0x10, s8, s16, $0xb8;
	[tilespmem:$0xA8C0] =	vst v63  }
0x3d: {  	_ =	swait.ge [sflag:s31], $0x280  }
0x3e: {  	[sflag:s31] =	ssyncset.done $0x0  }
0x3f: {  	s7 =	simm.s32 $0x75A8;
	[sflag:s31] =	ssyncadd.s32 $0xFFFFFD80  }
0x40: {  	[spmem:s3] =	stream.indirect.scatter.add.f32 [tilespmem:s23], [sflag:$0x9], $0x10, s7, s16, $0xb8;
	[tilespmem:$0xA8C0] =	vst v63  }
0x41: {  	_ =	swait.ge [sflag:s0], $0x280  }
0x42: {  	[sflag:s0] =	ssyncset.done $0x0  }
0x43: {  	s8 =	simm.s32 $0x75D0;
	[sflag:s0] =	ssyncadd.s32 $0xFFFFFD80  }
0x44: {  	[spmem:s3] =	stream.indirect.scatter.add.f32 [tilespmem:s26], [sflag:$0xA], $0x10, s8, s16, $0xb8;
	[tilespmem:$0xA8C0] =	vst v63  }
0x45: {  	_ =	swait.ge [sflag:s1], $0x280  }
0x46: {  	[sflag:s1] =	ssyncset.done $0x0  }
0x47: {  	s7 =	simm.s32 $0x4EE8;
	[sflag:s1] =	ssyncadd.s32 $0xFFFFFD80  }
0x48: {  	[tilespmem:s17], [sflag:$0x1] =	stream.indirect.gather [spmem:s2], $0x10, s7, s16, $0xb8;
	[tilespmem:$0xA8C0] =	vst v63  }
0x49: {  	_ =	swait.ge [sflag:s15], $0x280  }
0x4a: {  	[sflag:s15] =	ssyncset.done $0x0  }
0x4b: {  	s8 =	simm.s32 $0x4F10;
	[sflag:s15] =	ssyncadd.s32 $0xFFFFFD80  }
0x4c: {  	[tilespmem:s19], [sflag:$0x2] =	stream.indirect.gather [spmem:s2], $0x10, s8, s16, $0xb8;
	[tilespmem:$0xA8C0] =	vst v63  }
0x4d: {  	_ =	swait.ge [sflag:s18], $0x280  }
0x4e: {  	[sflag:s18] =	ssyncset.done $0x0  }
0x4f: {  	s7 =	simm.s32 $0x4F38;
	[sflag:s18] =	ssyncadd.s32 $0xFFFFFD80  }
0x50: {  	[tilespmem:s21], [sflag:$0x3] =	stream.indirect.gather [spmem:s2], $0x10, s7, s16, $0xb8;
	[tilespmem:$0xA8C0] =	vst v63  }
0x51: {  	_ =	swait.ge [sflag:s20], $0x280  }
0x52: {  	[sflag:s20] =	ssyncset.done $0x0  }
0x53: {  	s8 =	simm.s32 $0x4F60;
	[sflag:s20] =	ssyncadd.s32 $0xFFFFFD80  }
0x54: {  	[tilespmem:s23], [sflag:$0x4] =	stream.indirect.gather [spmem:s2], $0x10, s8, s16, $0xb8;
	[tilespmem:$0xA8C0] =	vst v63  }
0x55: {  	_ =	swait.ge [sflag:s22], $0x280  }
0x56: {  	[sflag:s22] =	ssyncset.done $0x0  }
0x57: {  	s4 =	simm.s32 $0x320;
	s7 =	simm.s32 $0x4F88;
	[sflag:s22] =	ssyncadd.s32 $0xFFFFFD80  }
.LBB2_2:
0x58: {  	[tilespmem:s26], [sflag:$0x5] =	stream.indirect.gather [spmem:s2], $0x10, s7, s16, $0xb8;
	[tilespmem:$0xA8C0] =	vst v63  }
0x59: {  	s7 =	smov.u32 s4  }
0x5a: {  	p1 =	sne.s32 s4, $0x9600;
	s4 =	sadd.s32 $0x320, s4;
	_ =	swait.ge [sflag:s28], $0x280  }
0x5b: {  	s7 =	sshra.s32 s7, $0x2;
	[sflag:s28] =	ssyncset.done $0x0  }
0x5c: {  	s8 =	sadd.s32 $0x7530, s7;
	[sflag:s28] =	ssyncadd.s32 $0xFFFFFD80  }
0x5d: {  	[spmem:s3] =	stream.indirect.scatter.add.f32 [tilespmem:s17], [sflag:$0x6], $0x10, s8, s16, $0xb8;
	[tilespmem:$0xA8C0] =	vst v63  }
0x5e: {  	_ =	swait.ge [sflag:s29], $0x280  }
0x5f: {  	[sflag:s29] =	ssyncset.done $0x0  }
0x60: {  	s8 =	sadd.s32 $0x7558, s7;
	[sflag:s29] =	ssyncadd.s32 $0xFFFFFD80  }
0x61: {  	[spmem:s3] =	stream.indirect.scatter.add.f32 [tilespmem:s19], [sflag:$0x7], $0x10, s8, s16, $0xb8;
	[tilespmem:$0xA8C0] =	vst v63  }
0x62: {  	_ =	swait.ge [sflag:s30], $0x280  }
0x63: {  	[sflag:s30] =	ssyncset.done $0x0  }
0x64: {  	s8 =	sadd.s32 $0x7580, s7;
	[sflag:s30] =	ssyncadd.s32 $0xFFFFFD80  }
0x65: {  	[spmem:s3] =	stream.indirect.scatter.add.f32 [tilespmem:s21], [sflag:$0x8], $0x10, s8, s16, $0xb8;
	[tilespmem:$0xA8C0] =	vst v63  }
0x66: {  	_ =	swait.ge [sflag:s31], $0x280  }
0x67: {  	[sflag:s31] =	ssyncset.done $0x0  }
0x68: {  	s8 =	sadd.s32 $0x75A8, s7;
	[sflag:s31] =	ssyncadd.s32 $0xFFFFFD80  }
0x69: {  	[spmem:s3] =	stream.indirect.scatter.add.f32 [tilespmem:s23], [sflag:$0x9], $0x10, s8, s16, $0xb8;
	[tilespmem:$0xA8C0] =	vst v63  }
0x6a: {  	_ =	swait.ge [sflag:s0], $0x280  }
0x6b: {  	[sflag:s0] =	ssyncset.done $0x0  }
0x6c: {  	s8 =	sadd.s32 $0x75D0, s7;
	[sflag:s0] =	ssyncadd.s32 $0xFFFFFD80  }
0x6d: {  	[spmem:s3] =	stream.indirect.scatter.add.f32 [tilespmem:s26], [sflag:$0xA], $0x10, s8, s16, $0xb8;
	[tilespmem:$0xA8C0] =	vst v63  }
0x6e: {  	_ =	swait.ge [sflag:s1], $0x280  }
0x6f: {  	[sflag:s1] =	ssyncset.done $0x0  }
0x70: {  	s8 =	sadd.s32 $0x4EE8, s7;
	[sflag:s1] =	ssyncadd.s32 $0xFFFFFD80  }
0x71: {  	[tilespmem:s17], [sflag:$0x1] =	stream.indirect.gather [spmem:s2], $0x10, s8, s16, $0xb8;
	[tilespmem:$0xA8C0] =	vst v63  }
0x72: {  	_ =	swait.ge [sflag:s15], $0x280  }
0x73: {  	[sflag:s15] =	ssyncset.done $0x0  }
0x74: {  	s8 =	sadd.s32 $0x4F10, s7;
	[sflag:s15] =	ssyncadd.s32 $0xFFFFFD80  }
0x75: {  	[tilespmem:s19], [sflag:$0x2] =	stream.indirect.gather [spmem:s2], $0x10, s8, s16, $0xb8;
	[tilespmem:$0xA8C0] =	vst v63  }
0x76: {  	_ =	swait.ge [sflag:s18], $0x280  }
0x77: {  	[sflag:s18] =	ssyncset.done $0x0  }
0x78: {  	s8 =	sadd.s32 $0x4F38, s7;
	[sflag:s18] =	ssyncadd.s32 $0xFFFFFD80  }
0x79: {  	[tilespmem:s21], [sflag:$0x3] =	stream.indirect.gather [spmem:s2], $0x10, s8, s16, $0xb8;
	[tilespmem:$0xA8C0] =	vst v63  }
0x7a: {  	_ =	swait.ge [sflag:s20], $0x280  }
0x7b: {  	[sflag:s20] =	ssyncset.done $0x0  }
.Ltmp0:
0x7c: {  	s8 =	sadd.s32 $0x4F60, s7;
	[sflag:s20] =	ssyncadd.s32 $0xFFFFFD80;
	(pc) =	sbr.rel @p1 .LBB2_2-.Ltmp0, $4  }
0x7d: {  	[tilespmem:s23], [sflag:$0x4] =	stream.indirect.gather [spmem:s2], $0x10, s8, s16, $0xb8;
	[tilespmem:$0xA8C0] =	vst v63  }
0x7e: {  	_ =	swait.ge [sflag:s22], $0x280  }
0x7f: {  	[sflag:s22] =	ssyncset.done $0x0  }
0x80: {  	s7 =	sadd.s32 $0x4F88, s7;
	[sflag:s22] =	ssyncadd.s32 $0xFFFFFD80  }
0x81: {  	[tilespmem:s26], [sflag:$0x5] =	stream.indirect.gather [spmem:s2], $0x10, s7, s16, $0xb8;
	[tilespmem:$0xA8C0] =	vst v63  }
0x82: {  	_ =	swait.ge [sflag:s28], $0x280  }
0x83: {  	[sflag:s28] =	ssyncset.done $0x0  }
0x84: {  	s4 =	simm.s32 $0x9B78;
	[sflag:s28] =	ssyncadd.s32 $0xFFFFFD80  }
0x85: {  	[spmem:s3] =	stream.indirect.scatter.add.f32 [tilespmem:s17], [sflag:$0x6], $0x10, s4, s16, $0xb8;
	[tilespmem:$0xA8C0] =	vst v63  }
0x86: {  	_ =	swait.ge [sflag:s29], $0x280  }
0x87: {  	[sflag:s29] =	ssyncset.done $0x0  }
0x88: {  	s7 =	simm.s32 $0x9BA0;
	[sflag:s29] =	ssyncadd.s32 $0xFFFFFD80  }
0x89: {  	[spmem:s3] =	stream.indirect.scatter.add.f32 [tilespmem:s19], [sflag:$0x7], $0x10, s7, s16, $0xb8;
	[tilespmem:$0xA8C0] =	vst v63  }
0x8a: {  	_ =	swait.ge [sflag:s30], $0x280  }
0x8b: {  	[sflag:s30] =	ssyncset.done $0x0  }
0x8c: {  	s8 =	simm.s32 $0x9BC8;
	[sflag:s30] =	ssyncadd.s32 $0xFFFFFD80  }
0x8d: {  	[spmem:s3] =	stream.indirect.scatter.add.f32 [tilespmem:s21], [sflag:$0x8], $0x10, s8, s16, $0xb8;
	[tilespmem:$0xA8C0] =	vst v63  }
0x8e: {  	_ =	swait.ge [sflag:s31], $0x280  }
0x8f: {  	[sflag:s31] =	ssyncset.done $0x0  }
0x90: {  	s7 =	simm.s32 $0x9BF0;
	[sflag:s31] =	ssyncadd.s32 $0xFFFFFD80  }
0x91: {  	[spmem:s3] =	stream.indirect.scatter.add.f32 [tilespmem:s23], [sflag:$0x9], $0x10, s7, s16, $0xb8;
	[tilespmem:$0xA8C0] =	vst v63  }
0x92: {  	_ =	swait.ge [sflag:s0], $0x280  }
0x93: {  	[sflag:s0] =	ssyncset.done $0x0  }
0x94: {  	s8 =	simm.s32 $0x9C18;
	[sflag:s0] =	ssyncadd.s32 $0xFFFFFD80  }
0x95: {  	[spmem:s3] =	stream.indirect.scatter.add.f32 [tilespmem:s26], [sflag:$0xA], $0x10, s8, s16, $0xb8;
	[tilespmem:$0xA8C0] =	vst v63  }
0x96: {  	_ =	swait.ge [sflag:s1], $0x280  }
0x97: {  	[sflag:s1] =	ssyncset.done $0x0  }
0x98: {  	[sflag:s1] =	ssyncadd.s32 $0xFFFFFD80  }
0x99: {  	_ =	swait.ge [sflag:s15], $0x280  }
0x9a: {  	[sflag:s15] =	ssyncset.done $0x0  }
0x9b: {  	[sflag:s15] =	ssyncadd.s32 $0xFFFFFD80  }
0x9c: {  	_ =	swait.ge [sflag:s18], $0x280  }
0x9d: {  	[sflag:s18] =	ssyncset.done $0x0  }
0x9e: {  	[sflag:s18] =	ssyncadd.s32 $0xFFFFFD80  }
0x9f: {  	_ =	swait.ge [sflag:s20], $0x280  }
0xa0: {  	[sflag:s20] =	ssyncset.done $0x0  }
0xa1: {  	[sflag:s20] =	ssyncadd.s32 $0xFFFFFD80  }
0xa2: {  	_ =	swait.ge [sflag:s22], $0x280  }
0xa3: {  	s24 =	sadd.s32 $0x1, s24;
	[sflag:s22] =	ssyncset.done $0x0  }
0xa4: {  	p1 =	sne.s32 s24, s10;
	[sflag:s22] =	ssyncadd.s32 $0xFFFFFD80  }
.Ltmp1:
0xa5: {  	s4 =	simm.s32 @!p0 $0xB;
	[bflag:$0x0] =	sbarrier.arrive $0xFFFF;
	(pc) =	sbr.rel @p1 .LBB2_1-.Ltmp1, $4  }
0xa6: {  	[hbm:s9], [sflag:s6] =	dma.local @!p0 [spmem:s25], $0x2710  }
0xa7: {  	_ =	swait.ge @!p0 [sflag:s4], $0x2710  }
0xa8: {  	[sflag:s4] =	ssyncset.done @!p0 $0x0  }
0xa9: {  	[sflag:s4] =	ssyncadd.s32 @!p0 $0xFFFFD8F0  }
0xaa: {  	_ =	sfence.sel $0x180000  }
0xab: {  	[bflag:$0x0] =	sbarrier.arrive $0xFFFF  }
0xac: {  	_ =	strace $0x9000004D  }
0xad: {  	s0 =	stileid.u32;
	[bflag:$0x2] =	sbarrier.arrive $0xFFFF  }
0xae: {  	p0 =	sne.s32 s0, $0x0;
	s0 =	rddreg [dreg:$0x3]  }
0xaf: {  	s0 =	sadd.s32 @!p0 $0x100000, s0  }
0xb0: {  	[sflag:s0] =	ssyncadd.tile.s32 @!p0 $0x1;
	_ =	shalt  }
.Lfunc_end2:
_tile_overlayer_lowered:
.L_overlay_start_2:
0xb1: {  	(tag) =	ssettag $0x2  }
0xb2: {  	s0 =	rddreg [dreg:$0x0];
	s2 =	stileid.u32  }
0xb3: {  	s1 =	rddreg [dreg:$0x1];
	p0 =	sne.s32 s2, $0x0  }
0xb4: {  	s3 =	rddreg [dreg:$0x2];
	[bflag:$0x3] =	sbarrier.arrive $0xFFFF;
	s2 =	simm.s32 @!p0 $0x1C0B  }
0xb5: {  	[timem:s3], [sflag:s2] =	dma.local @!p0 [hbm:s0], s1  }
0xb6: {  	s0 =	simm.s32 @!p0 $0xB  }
0xb7: {  	_ =	swait.ge @!p0 [sflag:s0], s1  }
0xb8: {  	s1 =	ssub.s32 @!p0 $0x0, s1;
	[sflag:s0] =	ssyncset.done @!p0 $0x0  }
0xb9: {  	[sflag:s0] =	ssyncadd.s32 @!p0 s1  }
0xba: {  	[bflag:$0x3] =	sbarrier.arrive $0xFFFF  }
0xbb: {  	_ =	shalt  }

// kernel: kernel.9.cloned.1.call-start
scs
__scs_entry_jumppad:
0x0: {  	(pc) =	sbr.rel $0x88, $3  }
0x1: {  	(tag) =	ssettag $0x0;
	lr =	simm.s32 $0x1  }
0x2: {  	[smem:$0x3F99] =	sst lr;
	_ =	strace $0xD0000000  }
0x3: {  	_ = 	snop  }
0x4: {  	_ = 	snop  }
0x5: {  	_ = 	snop  }
0x6: {  	_ = 	snop  }
0x7: {  	_ = 	snop  }
__scs_overlays_trampoline_lowered:
0x8: {  	[smem:$0x3FA8] =	sst s0  }
0x9: {  	[smem:$0x3FA9] =	sst s1  }
0xa: {  	[smem:$0x3FAA] =	sst s2  }
0xb: {  	[smem:$0x3FAB] =	sst s3  }
0xc: {  	[smem:$0x3FAC] =	sst s4  }
0xd: {  	[smem:$0x3FAD] =	sst s5  }
0xe: {  	[smem:$0x3FAE] =	sst s6  }
0xf: {  	[smem:$0x3FAF] =	sst s7  }
0x10: {  	[smem:$0x3FB0] =	sst s8  }
0x11: {  	[smem:$0x3FB1] =	sst s9;
	s0 =	simm.s32 @!p0 $0x0  }
0x12: {  	s1 =	sld [smem:$0x3F97];
	s0 =	simm.s32 @p0 $0x1  }
0x13: {  	[smem:$0x3FB2] =	sst s0;
	s0 =	simm.s32 @!p1 $0x0  }
0x14: {  	s2 =	sld [smem:$0x3F96];
	s0 =	simm.s32 @p1 $0x1  }
0x15: {  	[smem:$0x3FB3] =	sst s0;
	s0 =	simm.s32 @!p2 $0x0  }
0x16: {  	s3 =	sld [smem:$0x3FDB];
	s0 =	simm.s32 @p2 $0x1  }
0x17: {  	s4 =	simm.s32 $0x1BF5;
	[smem:$0x3FB5] =	sst s0  }
0x18: {  	s0 =	sld [smem:$0x3F98];
	_ =	swait.ge [sflag:s4], $0x0  }
0x19: {  	s7 =	sld [smem:$0x3F99]  }
0x1a: {  	s8 =	sadd.s32 $0xFFFFE003, lr  }
0x1b: {  	s9 =	sadd.s32 $0xFFFFFEF7, lr;
	s5 =	simm.s32 $0xFFFFFFFF;
	p2 =	slt.u32 s8, $0xFFFFF086  }
0x1c: {  	p1 =	slt.u32 s9, $0xF7A;
	s5 =	simm.s32 @!p2 $0x0  }
0x1d: {  	s5 =	simm.s32 @p1 $0x1;
	p0 =	seq.s32 s7, s2  }
0x1e: {  	s7 =	smul.u32 @!p0 $0xF7A, s2;
	p2 =	seq.s32 @!p0 s5, $0x0  }
0x1f: {  	s9 =	smul.u32 $0xF7A, s1;
	s8 =	simm.s32 @!p0 $0x1BF5;
	p2 =	por !p2, p0  }
0x20: {  	[sflag:s8] =	ssyncset.s32 @!p0 $0xFFFFF086;
	s6 =	sadd.s32 @!p0 s3, s7;
	s7 =	simm.s32 @!p0 $0x108  }
0x21: {  	s3 =	sadd.s32 s3, s9;
	s6 =	sadd.s32 @!p0 $0x88, s6;
	s7 =	simm.s32 @p2 $0x1082  }
0x22: {  	[simem:s7], [sflag:s8] =	dma.local @!p0 [hbm:s6], $0xF7A  }
0x23: {  	s9 =	sor.u32 $0xD0000000, s2;
	s6 =	simm.s32 $0x108;
	_ =	swait.ge @!p0 [sflag:s8], $0x0  }
0x24: {  	s3 =	sadd.s32 $0x88, s3;
	s6 =	simm.s32 @!p1 $0x1082;
	[sflag:s4] =	ssyncset.s32 $0xFFFFF086  }
0x25: {  	[simem:s6], [sflag:s4] =	dma.local [hbm:s3], $0xF7A  }
0x26: {  	[smem:$0x3F99] =	sst s1;
	(tag) =	ssettag s2;
	_ =	strace s9  }
0x27: {  	s1 =	sld [smem:$0x3FA9]  }
0x28: {  	s2 =	sld [smem:$0x3FAA]  }
0x29: {  	s4 =	sld [smem:$0x3FAC]  }
0x2a: {  	p0 =	seq.s32 s5, $0x0;
	s5 =	sld [smem:$0x3FAD]  }
0x2b: {  	s6 =	sld [smem:$0x3FAE]  }
0x2c: {  	s7 =	sld [smem:$0x3FAF]  }
0x2d: {  	s3 =	simm.s32 $0x108;
	s8 =	sld [smem:$0x3FB0]  }
0x2e: {  	s3 =	simm.s32 @!p0 $0x1082;
	s9 =	sld [smem:$0x3FB1]  }
0x2f: {  	lr =	sadd.s32 s0, s3;
	s0 =	sld [smem:$0x3FA8]  }
0x30: {  	s3 =	sld [smem:$0x3FAB]  }
0x31: {  	[smem:$0x3FB4] =	sst s10  }
0x32: {  	s10 =	sld [smem:$0x3FB2];
	_ =	sdelay $0x3  }
0x33: {  	p0 =	seq.s32 s10, $0x1;
	s10 =	sld [smem:$0x3FB4];
	_ =	sdelay $0x3  }
0x34: {  	[smem:$0x3FB4] =	sst s10  }
0x35: {  	s10 =	sld [smem:$0x3FB3];
	_ =	sdelay $0x3  }
0x36: {  	p1 =	seq.s32 s10, $0x1;
	s10 =	sld [smem:$0x3FB4];
	_ =	sdelay $0x3  }
0x37: {  	[smem:$0x3FB4] =	sst s10  }
0x38: {  	s10 =	sld [smem:$0x3FB5]  }
0x39: {  	_ = 	snop;
	(pc) =	sbr.ind lr, $3  }
0x3a: {  	_ = 	snop  }
0x3b: {  	_ = 	snop  }
0x3c: {  	p2 =	seq.s32 s10, $0x1;
	s10 =	sld [smem:$0x3FB4]  }
0x3d: {  	_ =	shalt  }
0x3e: {  	_ =	shalt  }
0x3f: {  	_ =	shalt  }
0x40: {  	_ =	shalt  }
0x41: {  	_ =	shalt  }
0x42: {  	_ =	shalt  }
0x43: {  	_ =	shalt  }
0x44: {  	_ =	shalt  }
0x45: {  	_ =	shalt  }
0x46: {  	_ =	shalt  }
0x47: {  	_ =	shalt  }
0x48: {  	_ =	shalt  }
0x49: {  	_ =	shalt  }
0x4a: {  	_ =	shalt  }
0x4b: {  	_ =	shalt  }
0x4c: {  	_ =	shalt  }
0x4d: {  	_ =	shalt  }
0x4e: {  	_ =	shalt  }
0x4f: {  	_ =	shalt  }
0x50: {  	_ =	shalt  }
0x51: {  	_ =	shalt  }
0x52: {  	_ =	shalt  }
0x53: {  	_ =	shalt  }
0x54: {  	_ =	shalt  }
0x55: {  	_ =	shalt  }
0x56: {  	_ =	shalt  }
0x57: {  	_ =	shalt  }
0x58: {  	_ =	shalt  }
0x59: {  	_ =	shalt  }
0x5a: {  	_ =	shalt  }
0x5b: {  	_ =	shalt  }
0x5c: {  	_ =	shalt  }
0x5d: {  	_ =	shalt  }
0x5e: {  	_ =	shalt  }
0x5f: {  	_ =	shalt  }
0x60: {  	_ =	shalt  }
0x61: {  	_ =	shalt  }
0x62: {  	_ =	shalt  }
0x63: {  	_ =	shalt  }
0x64: {  	_ =	shalt  }
0x65: {  	_ =	shalt  }
0x66: {  	_ =	shalt  }
0x67: {  	_ =	shalt  }
0x68: {  	_ =	shalt  }
0x69: {  	_ =	shalt  }
0x6a: {  	_ =	shalt  }
0x6b: {  	_ =	shalt  }
0x6c: {  	_ =	shalt  }
0x6d: {  	_ =	shalt  }
0x6e: {  	_ =	shalt  }
0x6f: {  	_ =	shalt  }
0x70: {  	_ =	shalt  }
0x71: {  	_ =	shalt  }
0x72: {  	_ =	shalt  }
0x73: {  	_ =	shalt  }
0x74: {  	_ =	shalt  }
0x75: {  	_ =	shalt  }
0x76: {  	_ =	shalt  }
0x77: {  	_ =	shalt  }
0x78: {  	_ =	shalt  }
0x79: {  	_ =	shalt  }
0x7a: {  	_ =	shalt  }
0x7b: {  	_ =	shalt  }
0x7c: {  	_ =	shalt  }
0x7d: {  	_ =	shalt  }
0x7e: {  	_ =	shalt  }
0x7f: {  	_ =	shalt  }
0x80: {  	_ =	shalt  }
0x81: {  	_ =	shalt  }
0x82: {  	_ =	shalt  }
0x83: {  	_ =	shalt  }
0x84: {  	_ =	shalt  }
0x85: {  	_ =	shalt  }
0x86: {  	_ =	shalt  }
0x87: {  	_ =	shalt  }
.Lfunc_end0:
.L_simem_size_0:
called_computation_lowered:
.L_overlay_start_0:
0x88: {  	s2 =	sld [smem:$0x3FD9]  }
0x89: {  	s3 =	sld [smem:$0x3FFE];
	_ =	sdelay $0x1  }
0x8a: {  	s1 =	srdreg.scid  }
0x8b: {  	s0 =	sand.u32 $0x1, s1  }
0x8c: {  	s17 =	sshll.u32 s0, $0xA;
	s2 =	sadd.s32 s3, s2  }
0x8d: {  	s2 =	sadd.s32 s2, s17  }
0x8e: {  	[smem:$0x3FC0] =	sst s2  }
0x8f: {  	_ = 	snop  }
0x90: {  	s2 =	sld [smem:$0x3FD0];
	(tm) =	ssettm $0x1  }
0x91: {  	s18 =	sld [smem:$0x3FFB];
	_ =	sdelay $0x3  }
0x92: {  	_ =	strace s18  }
0x93: {  	s3 =	sld [smem:$0x3FFC];
	_ =	sdelay $0x3  }
0x94: {  	_ =	strace s3  }
0x95: {  	s3 =	sld [smem:$0x3FFD];
	_ =	sdelay $0x3  }
0x96: {  	_ =	strace s3  }
0x97: {  	_ =	strace $0x8FFFFFFF  }
0x98: {  	s19 =	sld [smem:$0x3FDB];
	_ =	sdelay $0x1  }
0x99: {  	s4 =	simm.s32 $_scs_section_size  }
0x9a: {  	s5 =	simm.s32 $_size__tile_overlayer_lowered;
	s6 =	simm.s32 $_tile_overlayer_lowered  }
0x9b: {  	s22 =	simm.s32 $0x1BFF;
	s21 =	sshll.u32 s6, $0x1;
	s3 =	sadd.s32 s4, s19  }
0x9c: {  	s7 =	simm.s32 $0x0;
	s20 =	sshll.u32 s5, $0x1;
	s5 =	sadd.s32 s21, s3  }
0x9d: {  	[timem:s7], [sflag:s22] =	dma.local [hbm:s5], s20  }
0x9e: {  	_ =	swait.ge [sflag:s22], s20  }
0x9f: {  	s4 =	ssub.s32 $0x0, s20;
	[sflag:s22] =	ssyncset.done $0x0  }
0xa0: {  	[sflag:s22] =	ssyncadd.s32 s4;
	_ =	sdelay $0x1  }
0xa1: {  	s23 =	simm.s32 $0x1B8B  }
0xa2: {  	_ =	swait.ge [sflag:s23], $0x1  }
0xa3: {  	[sflag:s23] =	ssyncset.done $0x0  }
0xa4: {  	s25 =	simm.s32 $0x1B8E;
	s24 =	sld [smem:$0x3FFE];
	[sflag:s23] =	ssyncadd.s32 $0xFFFFFFFF  }
0xa5: {  	s26 =	simm.s32 $execute0_lowered;
	[smem:$0x3FD2] =	sst s25  }
0xa6: {  	s5 =	sshll.u32 s26, $0x1;
	_ =	strace $0x80000046;
	[dreg:$0x1] =	wrdreg $0xFFFFFFFF  }
0xa7: {  	s28 =	simm.s32 $_size_execute0_lowered;
	s3 =	sadd.s32 s3, s5;
	[dreg:$0x0] =	wrdreg $0x0  }
0xa8: {  	s5 =	sshll.u32 s28, $0x1;
	[dreg:$0x2] =	wrdreg s3  }
0xa9: {  	[dreg:$0x3] =	wrdreg s5  }
0xaa: {  	[dreg:$0x4] =	wrdreg $0xC0  }
0xab: {  	_ =	task [dreg:s7], $0x5FFFF  }
0xac: {  	[dreg:$0x1] =	wrdreg $0xFFFFFFFF  }
0xad: {  	[dreg:$0x0] =	wrdreg $0x60  }
0xae: {  	[dreg:$0x2] =	wrdreg s24  }
0xaf: {  	[dreg:$0x3] =	wrdreg s2  }
0xb0: {  	[dreg:$0x4] =	wrdreg $0x0  }
0xb1: {  	[dreg:$0x5] =	wrdreg $0x9  }
0xb2: {  	_ =	task.clear_ibuf [dreg:s7], $0x6FFFF;
	_ =	strace $0x90000046  }
0xb3: {  	s29 =	simm.s32 $0x9;
	_ =	strace $0x80000048  }
0xb4: {  	_ =	swait.ge [sflag:s29], $0x1  }
0xb5: {  	[sflag:s29] =	ssyncadd.s32 $0xFFFFFFFF  }
0xb6: {  	_ =	strace $0x90000048  }
0xb7: {  	_ =	sfence  }
0xb8: {  	s30 =	sld [smem:$0x0];
	_ =	sdelay $0x2  }
0xb9: {  	s31 =	sshll.u32 s1, $0xD;
	s1 =	sshrl.u32 s1, $0x2  }
0xba: {  	s3 =	sand.u32 $0x4000, s31;
	s1 =	sadd.s32 s1, s30  }
0xbb: {  	s0 =	sor.u32 s3, s0;
	s1 =	sshll.u32 s1, $0x11  }
0xbc: {  	s0 =	sor.u32 s1, s0  }
0xbd: {  	s0 =	sadd.s32 $0x8F2B, s0  }
0xbe: {  	[sflag:s0] =	ssyncadd.remote.s32 $0x1  }
0xbf: {  	_ =	sfence.sel $0xFFFF  }
0xc0: {  	[dreg:$0x0] =	wrdreg $0xFFFFFFFF;
	(pc) =	sbr.abs _section_cstart, $3  }
0xc1: {  	[dreg:$0x1] =	wrdreg $0xFFFFFFFF  }
0xc2: {  	_ =	task.clear_ibuf [dreg:s7], $0x2FFFF;
	_ =	strace $0x9FFFFFFF  }
0xc3: {  	(tm) =	ssettm $0x7FFFFFFF  }
tec
execute0_lowered:
.L_overlay_start_1:
0x0: {  	(tag) =	ssettag $0x1  }
0x1: {  	s0 =	srdreg.scid;
	s6 =	rddreg [dreg:$0x0]  }
0x2: {  	s2 =	rddreg [dreg:$0x1];
	s5 =	sand.u32 $0x1, s0;
	s0 =	stileid.u32  }
0x3: {  	s3 =	rddreg [dreg:$0x2];
	s8 =	smul.u32 $0x1388, s0  }
0x4: {  	s4 =	simm.s32 $0x0;
	s14 =	simm.s32 $0x1;
	s9 =	smul.u32 $0x13880, s0  }
0x5: {  	s16 =	simm.s32 $0x0;
	[smem:$0x7FF] =	sst s4;
	s10 =	smul.u32 $0x9C40, s5  }
0x6: {  	s1 =	sshll.u32 s5, $0x4;
	s5 =	ssub.s32 $0x2, s5;
	s29 =	smul.u32 $0x27100, s0  }
0x7: {  	s30 =	sshll.u32 s0, $0x6;
	p0 =	sgt.u32 s0, $0x1;
	s1 =	sor.u32 s0, s1  }
0x8: {  	s28 =	sshrl.u32 s5, $0x1;
	s7 =	smul.u32 $0x4E2, s1;
	s1 =	rddreg [dreg:$0x3]  }
0x9: {  	_ =	strace $0x80000047;
	s11 =	sshrl.u32 s8, $0x3;
	s9 =	sadd.s32 s10, s9  }
0xa: {  	s12 =	ssub.s32 s5, s28;
	s13 =	sadd.s32 s8, s3;
	s31 =	sshrl.u32 s29, $0x2  }
0xb: {  	s26 =	sadd.s32 s11, s6;
	s9 =	sshrl.u32 s9, $0x3;
	s15 =	sadd.s32 s31, s3  }
0xc: {  	s10 =	sshrl.u32 s13, $0x3;
	s11 =	simm.s32 $0x2;
	s13 =	simm.s32 $0x28  }
0xd: {  	s7 =	sadd.s32 s7, s6;
	s9 =	sadd.s32 s9, s6;
	s5 =	sadd.s32 $0x14E00, s26  }
0xe: {  	s6 =	sor.u32 $0x1C02, s30;
	s15 =	sshrl.u32 @!p0 s15, $0x3;
	s7 =	sadd.s32 $0xB000, s7  }
0xf: {  	s8 =	sadd.s32 $0x17600, s9;
	s9 =	smax.u32 s12, $0x1;
	s12 =	simm.s32 $0x3A98  }
.LBB2_1:
0x10: {  	[spmem:s10], [sflag:s6] =	dma.local [hbm:s5], $0x271  }
0x11: {  	_ =	swait.ge [sflag:s11], $0x271  }
0x12: {  	[sflag:s11] =	ssyncset.done $0x0  }
0x13: {  	[sflag:s11] =	ssyncadd.s32 $0xFFFFFD8F  }
0x14: {  	[tilespmem:s12], [sflag:$0x2] =	stream.linear.gather [hbm4b:s2+s4], $0x140, $0x38;
	[tilespmem:$0x3BD8] =	vst v63  }
0x15: {  	_ =	swait.ge [sflag:s11], $0x140  }
0x16: {  	[sflag:s11] =	ssyncset.done $0x0  }
0x17: {  	s17 =	simm.s32 $0x1388;
	[sflag:s11] =	ssyncadd.s32 $0xFFFFFEC0  }
0x18: {  	[tilespmem:s17], [sflag:$0x2] =	stream.linear.gather [hbm4b:s7+s4], $0x2710, $0x38;
	[tilespmem:$0x3BD8] =	vst v63  }
0x19: {  	_ =	swait.ge [sflag:s11], $0x2710  }
0x1a: {  	[sflag:s11] =	ssyncset.done $0x0  }
0x1b: {  	p1 =	por $0x1, $0x1;
	[sflag:s11] =	ssyncadd.s32 $0xFFFFD8F0  }
0x1c: {  	s19 =	simm.s32 @!p1 $0x1;
	[bflag:$0x0] =	sbarrier.arrive $0xFFFF  }
0x1d: {  	[spmem:s3] =	stream.indirect.scatter.add.f32 [tilespmem:s12], [sflag:$0x1], $0x8, s17, s13, $0xb8;
	[tilespmem:$0x3BD8] =	vst v63  }
0x1e: {  	_ =	swait.ge @!p1 [sflag:s19], $0x140  }
0x1f: {  	s18 =	simm.s32 $0x1;
	[sflag:s19] =	ssyncset.done @!p1 $0x0  }
.LBB2_2:
0x20: {  	[sflag:s19] =	ssyncadd.s32 @!p1 $0xFFFFFEC0  }
0x21: {  	s17 =	sadd.s32 $0x28, s17;
	s19 =	smov.u32 s18;
	s18 =	sadd.s32 $0x1, s18  }
0x22: {  	p2 =	sne.s32 s18, $0xFA  }
0x23: {  	[spmem:s3] =	stream.indirect.scatter.add.f32 [tilespmem:s12], [sflag:$0x1], $0x8, s17, s13, $0xb8;
	[tilespmem:$0x3BD8] =	vst v63  }
.Ltmp0:
0x24: {  	_ = 	snop;
	(pc) =	sbr.rel @p2 .LBB2_2-.Ltmp0, $4  }
0x25: {  	p1 =	slt.u32 s19, $0x10  }
0x26: {  	s19 =	simm.s32 @!p1 $0x1  }
0x27: {  	_ =	swait.ge @!p1 [sflag:s19], $0x140  }
0x28: {  	[sflag:s19] =	ssyncset.done @!p1 $0x0  }
0x29: {  	[sflag:s19] =	ssyncadd.s32 @!p1 $0xFFFFFEC0  }
0x2a: {  	_ =	swait.ge [sflag:s14], $0x140  }
0x2b: {  	[sflag:s14] =	ssyncset.done $0x0  }
0x2c: {  	[sflag:s14] =	ssyncadd.s32 $0xFFFFFEC0  }
0x2d: {  	_ =	swait.ge [sflag:s14], $0x140  }
0x2e: {  	[sflag:s14] =	ssyncset.done $0x0  }
0x2f: {  	[sflag:s14] =	ssyncadd.s32 $0xFFFFFEC0  }
0x30: {  	_ =	swait.ge [sflag:s14], $0x140  }
0x31: {  	[sflag:s14] =	ssyncset.done $0x0  }
0x32: {  	[sflag:s14] =	ssyncadd.s32 $0xFFFFFEC0  }
0x33: {  	_ =	swait.ge [sflag:s14], $0x140  }
0x34: {  	[sflag:s14] =	ssyncset.done $0x0  }
0x35: {  	[sflag:s14] =	ssyncadd.s32 $0xFFFFFEC0  }
0x36: {  	_ =	swait.ge [sflag:s14], $0x140  }
0x37: {  	[sflag:s14] =	ssyncset.done $0x0  }
0x38: {  	[sflag:s14] =	ssyncadd.s32 $0xFFFFFEC0  }
0x39: {  	_ =	swait.ge [sflag:s14], $0x140  }
0x3a: {  	[sflag:s14] =	ssyncset.done $0x0  }
0x3b: {  	[sflag:s14] =	ssyncadd.s32 $0xFFFFFEC0  }
0x3c: {  	_ =	swait.ge [sflag:s14], $0x140  }
0x3d: {  	[sflag:s14] =	ssyncset.done $0x0  }
0x3e: {  	[sflag:s14] =	ssyncadd.s32 $0xFFFFFEC0  }
0x3f: {  	_ =	swait.ge [sflag:s14], $0x140  }
0x40: {  	[sflag:s14] =	ssyncset.done $0x0  }
0x41: {  	[sflag:s14] =	ssyncadd.s32 $0xFFFFFEC0  }
0x42: {  	_ =	swait.ge [sflag:s14], $0x140  }
0x43: {  	[sflag:s14] =	ssyncset.done $0x0  }
0x44: {  	[sflag:s14] =	ssyncadd.s32 $0xFFFFFEC0  }
0x45: {  	_ =	swait.ge [sflag:s14], $0x140  }
0x46: {  	[sflag:s14] =	ssyncset.done $0x0  }
0x47: {  	[sflag:s14] =	ssyncadd.s32 $0xFFFFFEC0  }
0x48: {  	_ =	swait.ge [sflag:s14], $0x140  }
0x49: {  	[sflag:s14] =	ssyncset.done $0x0  }
0x4a: {  	[sflag:s14] =	ssyncadd.s32 $0xFFFFFEC0  }
0x4b: {  	_ =	swait.ge [sflag:s14], $0x140  }
0x4c: {  	[sflag:s14] =	ssyncset.done $0x0  }
0x4d: {  	[sflag:s14] =	ssyncadd.s32 $0xFFFFFEC0  }
0x4e: {  	_ =	swait.ge [sflag:s14], $0x140  }
0x4f: {  	[sflag:s14] =	ssyncset.done $0x0  }
0x50: {  	[sflag:s14] =	ssyncadd.s32 $0xFFFFFEC0  }
0x51: {  	_ =	swait.ge [sflag:s14], $0x140  }
0x52: {  	[sflag:s14] =	ssyncset.done $0x0  }
0x53: {  	[sflag:s14] =	ssyncadd.s32 $0xFFFFFEC0  }
0x54: {  	_ =	swait.ge [sflag:s14], $0x140  }
0x55: {  	[sflag:s14] =	ssyncset.done $0x0  }
0x56: {  	[sflag:s14] =	ssyncadd.s32 $0xFFFFFEC0  }
0x57: {  	_ =	swait.ge [sflag:s14], $0x140  }
0x58: {  	s16 =	sadd.s32 $0x1, s16;
	[sflag:s14] =	ssyncset.done $0x0  }
0x59: {  	p1 =	sne.s32 s16, s9;
	[sflag:s14] =	ssyncadd.s32 $0xFFFFFEC0  }
.Ltmp1:
0x5a: {  	s17 =	simm.s32 @!p0 $0x2;
	[bflag:$0x0] =	sbarrier.arrive $0xFFFF;
	(pc) =	sbr.rel @p1 .LBB2_1-.Ltmp1, $4  }
0x5b: {  	[hbm:s8], [sflag:s6] =	dma.local @!p0 [spmem:s15], $0x1388  }
0x5c: {  	_ =	swait.ge @!p0 [sflag:s17], $0x1388  }
0x5d: {  	[sflag:s17] =	ssyncset.done @!p0 $0x0  }
0x5e: {  	[sflag:s17] =	ssyncadd.s32 @!p0 $0xFFFFEC78  }
0x5f: {  	_ =	sfence.sel $0x180000  }
0x60: {  	[bflag:$0x0] =	sbarrier.arrive $0xFFFF  }
0x61: {  	p0 =	sne.s32 s0, $0x0;
	_ =	strace $0x90000047  }
0x62: {  	s0 =	sadd.s32 @!p0 $0x100000, s1;
	[bflag:$0x2] =	sbarrier.arrive $0xFFFF  }
0x63: {  	[sflag:s0] =	ssyncadd.tile.s32 @!p0 $0x1;
	_ =	shalt  }
.Lfunc_end2:
_tile_overlayer_lowered:
.L_overlay_start_2:
0x64: {  	(tag) =	ssettag $0x2  }
0x65: {  	s0 =	rddreg [dreg:$0x0];
	s2 =	stileid.u32  }
0x66: {  	s1 =	rddreg [dreg:$0x1];
	p0 =	sne.s32 s2, $0x0  }
0x67: {  	s3 =	rddreg [dreg:$0x2];
	[bflag:$0x3] =	sbarrier.arrive $0xFFFF;
	s2 =	simm.s32 @!p0 $0x1C02  }
0x68: {  	[timem:s3], [sflag:s2] =	dma.local @!p0 [hbm:s0], s1  }
0x69: {  	s0 =	simm.s32 @!p0 $0x2  }
0x6a: {  	_ =	swait.ge @!p0 [sflag:s0], s1  }
0x6b: {  	s1 =	ssub.s32 @!p0 $0x0, s1;
	[sflag:s0] =	ssyncset.done @!p0 $0x0  }
0x6c: {  	[sflag:s0] =	ssyncadd.s32 @!p0 s1  }
0x6d: {  	[bflag:$0x3] =	sbarrier.arrive $0xFFFF  }
0x6e: {  	_ =	shalt  }

</sc_bundles>
